<compile_context>
chip_gen: v7x
topology: tpu7x:2x2x1
jax: 0.10.2.dev20260603
libtpu: 0.0.44.dev20260713+nightly
codegen_flags: <defaults>
</compile_context>

<pallas_src>
import functools

import jax
import jax.numpy as jnp
from jax import lax
from jax.experimental import pallas as pl
from jax.experimental.pallas import tpu as pltpu
from jax.experimental.pallas import tpu_sc as plsc

_N_NODES = 10000
_N_EDGES = 320000
_H = 128
_EDGE_DIM = 16
_NUM_REL = 32

_NC = 2
_NS = 16
_NW = _NC * _NS
_EDGES_PER_TILE = _N_EDGES // _NW
_CHUNK = 80
_NCHUNK = _EDGES_PER_TILE // _CHUNK
_N_PAD = 10240
_ROWS_PER_TILE = _N_PAD // _NS
_ZROWS = 80
_NZ = _ROWS_PER_TILE // _ZROWS

_NODE_BLK = 2000
_EDGE_BLK = 2560



_CCHUNK = 128
_CNFULL = _N_EDGES // _CCHUNK // _NW
_CEXTRA = _N_EDGES // _CCHUNK - _CNFULL * _NW


def _sc_gather_conf_body(src_hbm, conf_hbm, out_hbm,
                         idx0, idx1, idx2, idx3, val0, val1, val2, val3,
                         sg0, sg1, sg2, sg3):
    c = lax.axis_index("c")
    s = lax.axis_index("s")
    wid = s * _NC + c
    base0 = wid * _CNFULL * _CCHUNK
    idx = (idx0, idx1, idx2, idx3)
    val = (val0, val1, val2, val3)
    sg = (sg0, sg1, sg2, sg3)

    def stage_load(g, b):
        base = base0 + g * _CCHUNK
        pltpu.sync_copy(src_hbm.at[pl.ds(base, _CCHUNK)], idx[b])
        pltpu.async_copy(conf_hbm.at[idx[b]], val[b], sg[b])

    def stage_drain(g, b):
        pltpu.make_async_copy(conf_hbm.at[idx[b]], val[b], sg[b]).wait()
        base = base0 + g * _CCHUNK
        pltpu.sync_copy(val[b], out_hbm.at[pl.ds(base, _CCHUNK)])

    for g in range(3):
        stage_load(g, g)

    def body(k, carry):
        for r in range(4):
            g = 4 * k + r
            stage_drain(g, r)

            @pl.when(g + 3 < _CNFULL)
            def _():
                stage_load(g + 3, (r + 3) % 4)
        return carry

    lax.fori_loop(0, _CNFULL // 4, body, 0)
    for g in range(4 * (_CNFULL // 4), _CNFULL):
        stage_drain(g, g % 4)

    @pl.when(wid < _CEXTRA)
    def _():
        base = (_NW * _CNFULL + wid) * _CCHUNK
        pltpu.sync_copy(src_hbm.at[pl.ds(base, _CCHUNK)], idx0)
        pltpu.sync_copy(conf_hbm.at[idx0], val0)
        pltpu.sync_copy(val0, out_hbm.at[pl.ds(base, _CCHUNK)])


def _sc_scatter_body(dst_hbm, src_hbm, hc_hbm, p_hbm, out_hbm,
                     dstv0, dstv1, srcv0, srcv1, hbuf0, hbuf1, pbuf0, pbuf1,
                     aggr_sh, sl0, sl1, sg0, sg1):
    c = lax.axis_index("c")
    s = lax.axis_index("s")
    wid = s * _NC + c
    base0 = wid * _EDGES_PER_TILE
    dstv = (dstv0, dstv1)
    srcv = (srcv0, srcv1)
    hbuf = (hbuf0, hbuf1)
    pbuf = (pbuf0, pbuf1)
    sl = (sl0, sl1)
    sg = (sg0, sg1)

    def issue_loads(g, b):
        base = base0 + g * _CHUNK
        pltpu.async_copy(dst_hbm.at[pl.ds(base, _CHUNK)], dstv[b], sl[b])
        pltpu.async_copy(src_hbm.at[pl.ds(base, _CHUNK)], srcv[b], sl[b])
        pltpu.async_copy(hc_hbm.at[pl.ds(base, _CHUNK)], hbuf[b], sl[b])

    def wait_loads(g, b):
        base = base0 + g * _CHUNK
        pltpu.make_async_copy(dst_hbm.at[pl.ds(base, _CHUNK)], dstv[b], sl[b]).wait()
        pltpu.make_async_copy(src_hbm.at[pl.ds(base, _CHUNK)], srcv[b], sl[b]).wait()
        pltpu.make_async_copy(hc_hbm.at[pl.ds(base, _CHUNK)], hbuf[b], sl[b]).wait()

    def issue_gather(b):
        pltpu.async_copy(p_hbm.at[srcv[b]], pbuf[b], sg[b])

    def wait_gather(b):
        pltpu.make_async_copy(p_hbm.at[srcv[b]], pbuf[b], sg[b]).wait()

    def scatter(b):
        pltpu.sync_copy(hbuf[b], aggr_sh.at[dstv[b]], add=True)
        pltpu.sync_copy(pbuf[b], aggr_sh.at[dstv[b]], add=True)

    issue_loads(0, 0)
    issue_loads(1, 1)

    z16 = jnp.zeros((16,), jnp.float32)

    def zrow(i, carry):
        for j in range(_H // 16):
            pbuf0[i, pl.ds(j * 16, 16)] = z16
        return carry

    lax.fori_loop(0, _ZROWS, zrow, 0)
    for k in range(_NZ):
        pltpu.sync_copy(
            pbuf0, aggr_sh.at[pl.ds(s * _ROWS_PER_TILE + k * _ZROWS, _ZROWS)])
    plsc.subcore_barrier()

    wait_loads(0, 0)
    issue_gather(0)

    def step(g, b):
        wait_loads(g + 1, 1 - b)
        issue_gather(1 - b)
        wait_gather(b)
        scatter(b)

        @pl.when(g + 2 < _NCHUNK)
        def _():
            issue_loads(g + 2, b)

    def body(k, carry):
        step(2 * k, 0)
        step(2 * k + 1, 1)
        return carry

    lax.fori_loop(0, _NCHUNK // 2, body, 0)
    wait_gather(0)
    scatter(0)
    plsc.subcore_barrier()

    for k in range(_NZ):
        r = s * _ROWS_PER_TILE + k * _ZROWS
        pltpu.sync_copy(aggr_sh.at[pl.ds(r, _ZROWS)],
                        out_hbm.at[pl.ds(c * _N_PAD + r, _ZROWS)])



def _tc_edge_node_mlp(eat_ref, et_ref, cs_ref, x_ref, conf_ref, rel_ref,
                      we1_ref, be1_ref, we2_ref, be2_ref, wn_ref, bn_ref,
                      hc_ref, p_ref):
    we1a = we1_ref[:_EDGE_DIM, :]
    we1b = we1_ref[_EDGE_DIM:, :]
    r1 = jnp.dot(rel_ref[...], we1b, preferred_element_type=jnp.float32)
    oh_t = (et_ref[...] == lax.broadcasted_iota(jnp.int32, (_NUM_REL, 1), 0))
    z = (lax.dot_general(eat_ref[...], we1a, (((0,), (0,)), ((), ())),
                         preferred_element_type=jnp.float32)
         + lax.dot_general(oh_t.astype(jnp.float32), r1,
                           (((0,), (0,)), ((), ())),
                           preferred_element_type=jnp.float32)
         + be1_ref[...])
    z = jnp.maximum(z, 0.0)
    h = jnp.dot(z, we2_ref[...], preferred_element_type=jnp.float32) + be2_ref[...]
    cs_col = lax.dot_general(cs_ref[...], jnp.ones((1, 1), jnp.float32),
                             (((0,), (0,)), ((), ())),
                             preferred_element_type=jnp.float32)
    hc_ref[...] = h * cs_col

    @pl.when(pl.program_id(0) < _N_NODES // _NODE_BLK)
    def _():
        p = jnp.dot(x_ref[...], wn_ref[...],
                    preferred_element_type=jnp.float32) + bn_ref[...]
        p_ref[...] = jnp.maximum(p, 0.0) * conf_ref[...]


def _tc_fuse(x_ref, a0_ref, a1_ref, wg1_ref, wg2_ref, bg_ref,
             gamma_ref, beta_ref, out_ref):
    x = x_ref[...]
    aggr = a0_ref[...] + a1_ref[...]
    gate = jax.nn.sigmoid(
        jnp.dot(x, wg1_ref[...], preferred_element_type=jnp.float32)
        + jnp.dot(aggr, wg2_ref[...], preferred_element_type=jnp.float32)
        + bg_ref[...])
    fused = gate * jnp.tanh(aggr) + (1.0 - gate) * x
    mean = jnp.mean(fused, axis=-1, keepdims=True)
    ctr = fused - mean
    var = jnp.mean(ctr * ctr, axis=-1, keepdims=True)
    out_ref[...] = ctr * lax.rsqrt(var + 1e-5) * gamma_ref[...] + beta_ref[...]



def kernel(x, edge_index, edge_attr, edge_type, confidence, rel_table,
           We1, be1, We2, be2, Wn, bn, Wg, bg, gamma, beta):
    src = edge_index[0]
    dst = edge_index[1]
    conf1 = confidence.reshape(_N_NODES)

    mesh = plsc.VectorSubcoreMesh(core_axis_name="c", subcore_axis_name="s")

    csrc = pl.kernel(
        _sc_gather_conf_body,
        out_type=jax.ShapeDtypeStruct((_N_EDGES,), jnp.float32),
        mesh=mesh,
        scratch_types=(
            [pltpu.VMEM((_CCHUNK,), jnp.int32)] * 4
            + [pltpu.VMEM((_CCHUNK,), jnp.float32)] * 4
            + [pltpu.SemaphoreType.DMA] * 4
        ),
    )(src, conf1)

    nblk = _N_NODES // _NODE_BLK
    eblk = _N_EDGES // _EDGE_BLK
    nlast = nblk - 1
    hc, p_nodes = pl.pallas_call(
        _tc_edge_node_mlp,
        grid=(eblk,),
        in_specs=[
            pl.BlockSpec((_EDGE_DIM, _EDGE_BLK), lambda i: (0, i)),
            pl.BlockSpec((1, _EDGE_BLK), lambda i: (0, i)),
            pl.BlockSpec((1, _EDGE_BLK), lambda i: (0, i)),
            pl.BlockSpec((_NODE_BLK, _H), lambda i: (jnp.minimum(i, nlast), 0)),
            pl.BlockSpec((_NODE_BLK, 1), lambda i: (jnp.minimum(i, nlast), 0)),
            pl.BlockSpec((_NUM_REL, _EDGE_DIM), lambda i: (0, 0)),
            pl.BlockSpec((_EDGE_DIM + _EDGE_DIM, _H), lambda i: (0, 0)),
            pl.BlockSpec((1, _H), lambda i: (0, 0)),
            pl.BlockSpec((_H, _H), lambda i: (0, 0)),
            pl.BlockSpec((1, _H), lambda i: (0, 0)),
            pl.BlockSpec((_H, _H), lambda i: (0, 0)),
            pl.BlockSpec((1, _H), lambda i: (0, 0)),
        ],
        out_specs=[
            pl.BlockSpec((_EDGE_BLK, _H), lambda i: (i, 0)),
            pl.BlockSpec((_NODE_BLK, _H), lambda i: (jnp.minimum(i, nlast), 0)),
        ],
        out_shape=[
            jax.ShapeDtypeStruct((_N_EDGES, _H), jnp.float32),
            jax.ShapeDtypeStruct((_N_NODES, _H), jnp.float32),
        ],
    )(edge_attr.T, edge_type.reshape(1, _N_EDGES), csrc.reshape(1, _N_EDGES),
      x, confidence, rel_table, We1, be1.reshape(1, _H), We2,
      be2.reshape(1, _H), Wn, bn.reshape(1, _H))

    partials = pl.kernel(
        _sc_scatter_body,
        out_type=jax.ShapeDtypeStruct((_NC * _N_PAD, _H), jnp.float32),
        mesh=mesh,
        scratch_types=[
            pltpu.VMEM((_CHUNK,), jnp.int32),
            pltpu.VMEM((_CHUNK,), jnp.int32),
            pltpu.VMEM((_CHUNK,), jnp.int32),
            pltpu.VMEM((_CHUNK,), jnp.int32),
            pltpu.VMEM((_CHUNK, _H), jnp.float32),
            pltpu.VMEM((_CHUNK, _H), jnp.float32),
            pltpu.VMEM((_CHUNK, _H), jnp.float32),
            pltpu.VMEM((_CHUNK, _H), jnp.float32),
            pltpu.VMEM_SHARED((_N_PAD, _H), jnp.float32),
            pltpu.SemaphoreType.DMA,
            pltpu.SemaphoreType.DMA,
            pltpu.SemaphoreType.DMA,
            pltpu.SemaphoreType.DMA,
        ],
    )(dst, src, hc, p_nodes)

    a0 = partials[:_N_NODES]
    a1 = partials[_N_PAD:_N_PAD + _N_NODES]

    out = pl.pallas_call(
        _tc_fuse,
        grid=(nblk,),
        in_specs=[
            pl.BlockSpec((_NODE_BLK, _H), lambda i: (i, 0)),
            pl.BlockSpec((_NODE_BLK, _H), lambda i: (i, 0)),
            pl.BlockSpec((_NODE_BLK, _H), lambda i: (i, 0)),
            pl.BlockSpec((_H, _H), lambda i: (0, 0)),
            pl.BlockSpec((_H, _H), lambda i: (0, 0)),
            pl.BlockSpec((1, _H), lambda i: (0, 0)),
            pl.BlockSpec((1, _H), lambda i: (0, 0)),
            pl.BlockSpec((1, _H), lambda i: (0, 0)),
        ],
        out_specs=pl.BlockSpec((_NODE_BLK, _H), lambda i: (i, 0)),
        out_shape=jax.ShapeDtypeStruct((_N_NODES, _H), jnp.float32),
    )(x, a0, a1, Wg[:_H], Wg[_H:], bg.reshape(1, _H),
      gamma.reshape(1, _H), beta.reshape(1, _H))
    return out

# --- scband reference (transcript-rebuilt; emitter-appended) ---
"""Pipeline reference for scband-edge-angle-conv-82463372083468 (READ-ONLY COPY).

The authoritative reference and input builder live on the scoring server;
editing this copy changes nothing except your own understanding.
"""

import jax, jax.numpy as jnp
import numpy as np

N_NODES = 10000
N_EDGES = 320000
HIDDEN = 128
EDGE_DIM = 16
NUM_REL = 32
REL_DIM = 16


def setup_inputs(seed: int = 0) -> dict:
    key = jax.random.key(seed)
    ks = jax.random.split(key, 16)
    x = jax.random.normal(ks[0], (N_NODES, HIDDEN), dtype=jnp.float32)
    edge_index = jax.random.randint(ks[1], (2, N_EDGES), 0, N_NODES, dtype=jnp.int64 if jax.config.jax_enable_x64 else jnp.int32).astype(jnp.int32)
    edge_attr = jax.random.normal(ks[2], (N_EDGES, EDGE_DIM), dtype=jnp.float32)
    edge_type = jax.random.randint(ks[3], (N_EDGES,), 0, NUM_REL).astype(jnp.int32)
    confidence = jax.random.uniform(ks[4], (N_NODES, 1), dtype=jnp.float32)
    rel_table = jax.random.normal(ks[5], (NUM_REL, REL_DIM), dtype=jnp.float32) * 0.05
    We1 = jax.random.normal(ks[6], (EDGE_DIM + REL_DIM, HIDDEN), dtype=jnp.float32) * 0.05
    be1 = jnp.zeros((HIDDEN,), dtype=jnp.float32)
    We2 = jax.random.normal(ks[7], (HIDDEN, HIDDEN), dtype=jnp.float32) * 0.05
    be2 = jnp.zeros((HIDDEN,), dtype=jnp.float32)
    Wn = jax.random.normal(ks[8], (HIDDEN, HIDDEN), dtype=jnp.float32) * 0.05
    bn = jnp.zeros((HIDDEN,), dtype=jnp.float32)
    Wg = jax.random.normal(ks[9], (2 * HIDDEN, HIDDEN), dtype=jnp.float32) * 0.05
    bg = jnp.zeros((HIDDEN,), dtype=jnp.float32)
    gamma = jnp.ones((HIDDEN,), dtype=jnp.float32)
    beta = jnp.zeros((HIDDEN,), dtype=jnp.float32)
    return {"x": x, "edge_index": edge_index, "edge_attr": edge_attr, "edge_type": edge_type,
            "confidence": confidence, "rel_table": rel_table, "We1": We1, "be1": be1,
            "We2": We2, "be2": be2, "Wn": Wn, "bn": bn, "Wg": Wg, "bg": bg,
            "gamma": gamma, "beta": beta}


def reference(x, edge_index, edge_attr, edge_type, confidence,
              rel_table, We1, be1, We2, be2, Wn, bn, Wg, bg, gamma, beta):
    # relation embedding lookup (gather)
    rel = jnp.take(rel_table, edge_type, axis=0)
    edge_features = jnp.concatenate([edge_attr, rel], axis=-1)
    src = edge_index[0]
    dst = edge_index[1]
    # edge_mlp: Linear -> ReLU -> Linear
    h = jnp.maximum(edge_features @ We1 + be1, 0.0) @ We2 + be2
    # node_mlp on gathered source features: Linear -> ReLU
    nm = jnp.maximum(jnp.take(x, src, axis=0) @ Wn + bn, 0.0)
    msg = (h + nm) * jnp.take(confidence, src, axis=0)
    # scatter-add aggregation to destination nodes
    aggr = jnp.zeros_like(x).at[dst].add(msg)
    gate = jax.nn.sigmoid(jnp.concatenate([x, aggr], axis=-1) @ Wg + bg)
    fused = gate * jnp.tanh(aggr) + (1.0 - gate) * x
    # LayerNorm (eps=1e-5, biased variance like torch)
    mean = jnp.mean(fused, axis=-1, keepdims=True)
    var = jnp.mean((fused - mean) ** 2, axis=-1, keepdims=True)
    out = (fused - mean) / jnp.sqrt(var + 1e-5) * gamma + beta
    # dropout is identity in eval mode
    return out

if __name__ == "__main__":
    import jax
    _d = setup_inputs()
    print(jax.jit(kernel)(*tuple(_d.values())))

</pallas_src>

<mosaic_0001>
#map = affine_map<(d0, d1) -> (0)>
#map1 = affine_map<(d0, d1) -> (0, 0)>
module attributes {stable_mosaic.version = 14 : i64} {
  func.func @_sc_scatter_body(%arg0: i32, %arg1: i32, %arg2: memref<320000xi32, #tpu.memory_space<hbm>>, %arg3: memref<320000xi32, #tpu.memory_space<hbm>>, %arg4: memref<320000x128xf32, #tpu.memory_space<hbm>>, %arg5: memref<10000x128xf32, #tpu.memory_space<hbm>>, %arg6: memref<20480x128xf32, #tpu.memory_space<hbm>>, %arg7: memref<80xi32, #tpu.memory_space<vmem>>, %arg8: memref<80xi32, #tpu.memory_space<vmem>>, %arg9: memref<80xi32, #tpu.memory_space<vmem>>, %arg10: memref<80xi32, #tpu.memory_space<vmem>>, %arg11: memref<80x128xf32, #tpu.memory_space<vmem>>, %arg12: memref<80x128xf32, #tpu.memory_space<vmem>>, %arg13: memref<80x128xf32, #tpu.memory_space<vmem>>, %arg14: memref<80x128xf32, #tpu.memory_space<vmem>>, %arg15: memref<10240x128xf32, #tpu.memory_space<vmem_shared>>, %arg16: memref<!tpu.dma_semaphore, #tpu.memory_space<semaphore_mem>>, %arg17: memref<!tpu.dma_semaphore, #tpu.memory_space<semaphore_mem>>, %arg18: memref<!tpu.dma_semaphore, #tpu.memory_space<semaphore_mem>>, %arg19: memref<!tpu.dma_semaphore, #tpu.memory_space<semaphore_mem>>) attributes {dimension_semantics = [#tpu.dimension_semantics<core_parallel>, #tpu.dimension_semantics<subcore_parallel>], iteration_bounds = array<i64: 2, 16>, scalar_prefetch = 0 : i64, scratch_operands = 13 : i64, tpu.core_type = #tpu.core_type<sc_vector_subcore>, window_params = [{transform_indices = #map}, {transform_indices = #map}, {transform_indices = #map1}, {transform_indices = #map1}, {transform_indices = #map1}]} {
    %mul3A = arith.constant 2 : i32
    %mul3A_0 = arith.muli %arg1, %mul3A : i32
    %add3A = arith.addi %mul3A_0, %arg0 : i32
    %mul3A_1 = arith.constant 10000 : i32
    %mul3A_2 = arith.muli %add3A, %mul3A_1 : i32
    %add3A_3 = arith.constant 0 : i32
    %add3A_4 = arith.addi %mul3A_2, %add3A_3 : i32
    %dma_start3A = tpu.memref_slice %arg2[%add3A_4] : memref<320000xi32, #tpu.memory_space<hbm>> -> memref<80xi32, #tpu.memory_space<hbm>>
    %dma_start3A_5 = tpu.memref_slice %arg2[%add3A_4] : memref<320000xi32, #tpu.memory_space<hbm>> -> memref<80xi32, #tpu.memory_space<hbm>>
    tpu.enqueue_dma source(%dma_start3A_5 : memref<80xi32, #tpu.memory_space<hbm>>) target(%arg7 : memref<80xi32, #tpu.memory_space<vmem>>) target_semaphore(%arg16 : memref<!tpu.dma_semaphore, #tpu.memory_space<semaphore_mem>>)
    %dma_start3A_6 = tpu.memref_slice %arg3[%add3A_4] : memref<320000xi32, #tpu.memory_space<hbm>> -> memref<80xi32, #tpu.memory_space<hbm>>
    %dma_start3A_7 = tpu.memref_slice %arg3[%add3A_4] : memref<320000xi32, #tpu.memory_space<hbm>> -> memref<80xi32, #tpu.memory_space<hbm>>
    tpu.enqueue_dma source(%dma_start3A_7 : memref<80xi32, #tpu.memory_space<hbm>>) target(%arg9 : memref<80xi32, #tpu.memory_space<vmem>>) target_semaphore(%arg16 : memref<!tpu.dma_semaphore, #tpu.memory_space<semaphore_mem>>)
    %dma_start3A_8 = arith.constant 0 : i32
    %dma_start3A_9 = tpu.memref_slice %arg4[%add3A_4, %dma_start3A_8] : memref<320000x128xf32, #tpu.memory_space<hbm>> -> memref<80x128xf32, #tpu.memory_space<hbm>>
    %dma_start3A_10 = arith.constant 0 : i32
    %dma_start3A_11 = tpu.memref_slice %arg4[%add3A_4, %dma_start3A_10] : memref<320000x128xf32, #tpu.memory_space<hbm>> -> memref<80x128xf32, #tpu.memory_space<hbm>>
    tpu.enqueue_dma source(%dma_start3A_11 : memref<80x128xf32, #tpu.memory_space<hbm>>) target(%arg11 : memref<80x128xf32, #tpu.memory_space<vmem>>) target_semaphore(%arg16 : memref<!tpu.dma_semaphore, #tpu.memory_space<semaphore_mem>>)
    %add3A_12 = arith.constant 80 : i32
    %add3A_13 = arith.addi %mul3A_2, %add3A_12 : i32
    %dma_start3A_14 = tpu.memref_slice %arg2[%add3A_13] : memref<320000xi32, #tpu.memory_space<hbm>> -> memref<80xi32, #tpu.memory_space<hbm>>
    %dma_start3A_15 = tpu.memref_slice %arg2[%add3A_13] : memref<320000xi32, #tpu.memory_space<hbm>> -> memref<80xi32, #tpu.memory_space<hbm>>
    tpu.enqueue_dma source(%dma_start3A_15 : memref<80xi32, #tpu.memory_space<hbm>>) target(%arg8 : memref<80xi32, #tpu.memory_space<vmem>>) target_semaphore(%arg17 : memref<!tpu.dma_semaphore, #tpu.memory_space<semaphore_mem>>)
    %dma_start3A_16 = tpu.memref_slice %arg3[%add3A_13] : memref<320000xi32, #tpu.memory_space<hbm>> -> memref<80xi32, #tpu.memory_space<hbm>>
    %dma_start3A_17 = tpu.memref_slice %arg3[%add3A_13] : memref<320000xi32, #tpu.memory_space<hbm>> -> memref<80xi32, #tpu.memory_space<hbm>>
    tpu.enqueue_dma source(%dma_start3A_17 : memref<80xi32, #tpu.memory_space<hbm>>) target(%arg10 : memref<80xi32, #tpu.memory_space<vmem>>) target_semaphore(%arg17 : memref<!tpu.dma_semaphore, #tpu.memory_space<semaphore_mem>>)
    %dma_start3A_18 = arith.constant 0 : i32
    %dma_start3A_19 = tpu.memref_slice %arg4[%add3A_13, %dma_start3A_18] : memref<320000x128xf32, #tpu.memory_space<hbm>> -> memref<80x128xf32, #tpu.memory_space<hbm>>
    %dma_start3A_20 = arith.constant 0 : i32
    %dma_start3A_21 = tpu.memref_slice %arg4[%add3A_13, %dma_start3A_20] : memref<320000x128xf32, #tpu.memory_space<hbm>> -> memref<80x128xf32, #tpu.memory_space<hbm>>
    tpu.enqueue_dma source(%dma_start3A_21 : memref<80x128xf32, #tpu.memory_space<hbm>>) target(%arg12 : memref<80x128xf32, #tpu.memory_space<vmem>>) target_semaphore(%arg17 : memref<!tpu.dma_semaphore, #tpu.memory_space<semaphore_mem>>)
    %broadcast_in_dim3A = arith.constant 0.000000e+00 : f32
    %broadcast_in_dim3A_22 = vector.broadcast %broadcast_in_dim3A : f32 to vector<16xf32>
    %scan3A = arith.constant 0 : i32
    %scan3A_23 = arith.constant 0 : i32
    %scan3A_24 = arith.constant 80 : i32
    %scan3A_25 = arith.addi %scan3A_23, %scan3A_24 : i32
    %scan3A_26 = arith.constant 1 : i32
    scf.for %scan3A_138 = %scan3A_23 to %scan3A_25 step %scan3A_26  : i32 {
      %swap3A = arith.index_cast %scan3A_138 : i32 to index
      %swap3A_139 = arith.constant 0 : index
      %swap3A_140 = tpu.vector_load %arg13[%swap3A, %swap3A_139] {strides = array<i32>} : memref<80x128xf32, #tpu.memory_space<vmem>>, vector<1x16xf32>,
      %swap3A_141 = vector.shape_cast %swap3A_140 : vector<1x16xf32> to vector<16xf32>
      %swap3A_142 = vector.shape_cast %broadcast_in_dim3A_22 : vector<16xf32> to vector<1x16xf32>
      tpu.vector_store %arg13[%swap3A, %swap3A_139], %swap3A_142 {strides = array<i32>} : memref<80x128xf32, #tpu.memory_space<vmem>>, vector<1x16xf32>,
      %swap3A_143 = arith.index_cast %scan3A_138 : i32 to index
      %swap3A_144 = arith.constant 16 : index
      %swap3A_145 = tpu.vector_load %arg13[%swap3A_143, %swap3A_144] {strides = array<i32>} : memref<80x128xf32, #tpu.memory_space<vmem>>, vector<1x16xf32>,
      %swap3A_146 = vector.shape_cast %swap3A_145 : vector<1x16xf32> to vector<16xf32>
      %swap3A_147 = vector.shape_cast %broadcast_in_dim3A_22 : vector<16xf32> to vector<1x16xf32>
      tpu.vector_store %arg13[%swap3A_143, %swap3A_144], %swap3A_147 {strides = array<i32>} : memref<80x128xf32, #tpu.memory_space<vmem>>, vector<1x16xf32>,
      %swap3A_148 = arith.index_cast %scan3A_138 : i32 to index
      %swap3A_149 = arith.constant 32 : index
      %swap3A_150 = tpu.vector_load %arg13[%swap3A_148, %swap3A_149] {strides = array<i32>} : memref<80x128xf32, #tpu.memory_space<vmem>>, vector<1x16xf32>,
      %swap3A_151 = vector.shape_cast %swap3A_150 : vector<1x16xf32> to vector<16xf32>
      %swap3A_152 = vector.shape_cast %broadcast_in_dim3A_22 : vector<16xf32> to vector<1x16xf32>
      tpu.vector_store %arg13[%swap3A_148, %swap3A_149], %swap3A_152 {strides = array<i32>} : memref<80x128xf32, #tpu.memory_space<vmem>>, vector<1x16xf32>,
      %swap3A_153 = arith.index_cast %scan3A_138 : i32 to index
      %swap3A_154 = arith.constant 48 : index
      %swap3A_155 = tpu.vector_load %arg13[%swap3A_153, %swap3A_154] {strides = array<i32>} : memref<80x128xf32, #tpu.memory_space<vmem>>, vector<1x16xf32>,
      %swap3A_156 = vector.shape_cast %swap3A_155 : vector<1x16xf32> to vector<16xf32>
      %swap3A_157 = vector.shape_cast %broadcast_in_dim3A_22 : vector<16xf32> to vector<1x16xf32>
      tpu.vector_store %arg13[%swap3A_153, %swap3A_154], %swap3A_157 {strides = array<i32>} : memref<80x128xf32, #tpu.memory_space<vmem>>, vector<1x16xf32>,
      %swap3A_158 = arith.index_cast %scan3A_138 : i32 to index
      %swap3A_159 = arith.constant 64 : index
      %swap3A_160 = tpu.vector_load %arg13[%swap3A_158, %swap3A_159] {strides = array<i32>} : memref<80x128xf32, #tpu.memory_space<vmem>>, vector<1x16xf32>,
      %swap3A_161 = vector.shape_cast %swap3A_160 : vector<1x16xf32> to vector<16xf32>
      %swap3A_162 = vector.shape_cast %broadcast_in_dim3A_22 : vector<16xf32> to vector<1x16xf32>
      tpu.vector_store %arg13[%swap3A_158, %swap3A_159], %swap3A_162 {strides = array<i32>} : memref<80x128xf32, #tpu.memory_space<vmem>>, vector<1x16xf32>,
      %swap3A_163 = arith.index_cast %scan3A_138 : i32 to index
      %swap3A_164 = arith.constant 80 : index
      %swap3A_165 = tpu.vector_load %arg13[%swap3A_163, %swap3A_164] {strides = array<i32>} : memref<80x128xf32, #tpu.memory_space<vmem>>, vector<1x16xf32>,
      %swap3A_166 = vector.shape_cast %swap3A_165 : vector<1x16xf32> to vector<16xf32>
      %swap3A_167 = vector.shape_cast %broadcast_in_dim3A_22 : vector<16xf32> to vector<1x16xf32>
      tpu.vector_store %arg13[%swap3A_163, %swap3A_164], %swap3A_167 {strides = array<i32>} : memref<80x128xf32, #tpu.memory_space<vmem>>, vector<1x16xf32>,
      %swap3A_168 = arith.index_cast %scan3A_138 : i32 to index
      %swap3A_169 = arith.constant 96 : index
      %swap3A_170 = tpu.vector_load %arg13[%swap3A_168, %swap3A_169] {strides = array<i32>} : memref<80x128xf32, #tpu.memory_space<vmem>>, vector<1x16xf32>,
      %swap3A_171 = vector.shape_cast %swap3A_170 : vector<1x16xf32> to vector<16xf32>
      %swap3A_172 = vector.shape_cast %broadcast_in_dim3A_22 : vector<16xf32> to vector<1x16xf32>
      tpu.vector_store %arg13[%swap3A_168, %swap3A_169], %swap3A_172 {strides = array<i32>} : memref<80x128xf32, #tpu.memory_space<vmem>>, vector<1x16xf32>,
      %swap3A_173 = arith.index_cast %scan3A_138 : i32 to index
      %swap3A_174 = arith.constant 112 : index
      %swap3A_175 = tpu.vector_load %arg13[%swap3A_173, %swap3A_174] {strides = array<i32>} : memref<80x128xf32, #tpu.memory_space<vmem>>, vector<1x16xf32>,
      %swap3A_176 = vector.shape_cast %swap3A_175 : vector<1x16xf32> to vector<16xf32>
      %swap3A_177 = vector.shape_cast %broadcast_in_dim3A_22 : vector<16xf32> to vector<1x16xf32>
      tpu.vector_store %arg13[%swap3A_173, %swap3A_174], %swap3A_177 {strides = array<i32>} : memref<80x128xf32, #tpu.memory_space<vmem>>, vector<1x16xf32>,
    }
    %scan3A_27 = arith.constant 80 : i32
    %mul3A_28 = arith.constant 640 : i32
    %mul3A_29 = arith.muli %arg1, %mul3A_28 : i32
    %add3A_30 = arith.constant 0 : i32
    %add3A_31 = arith.addi %mul3A_29, %add3A_30 : i32
    "tpu.region"() ({
      %run_scoped3A = tpu.sem_alloc : memref<!tpu.dma_semaphore, #tpu.memory_space<semaphore_mem>>
      %dma_start3A_138 = arith.constant 0 : i32
      %dma_start3A_139 = tpu.memref_slice %arg15[%add3A_31, %dma_start3A_138] : memref<10240x128xf32, #tpu.memory_space<vmem_shared>> -> memref<80x128xf32, #tpu.memory_space<vmem_shared>>
      %dma_start3A_140 = arith.constant 0 : i32
      %dma_start3A_141 = tpu.memref_slice %arg15[%add3A_31, %dma_start3A_140] : memref<10240x128xf32, #tpu.memory_space<vmem_shared>> -> memref<80x128xf32, #tpu.memory_space<vmem_shared>>
      tpu.enqueue_dma source(%arg13 : memref<80x128xf32, #tpu.memory_space<vmem>>) target(%dma_start3A_141 : memref<80x128xf32, #tpu.memory_space<vmem_shared>>) target_semaphore(%run_scoped3A : memref<!tpu.dma_semaphore, #tpu.memory_space<semaphore_mem>>)
      %dma_wait3A_142 = arith.constant 0 : i32
      %dma_wait3A_143 = tpu.memref_slice %arg15[%add3A_31, %dma_wait3A_142] : memref<10240x128xf32, #tpu.memory_space<vmem_shared>> -> memref<80x128xf32, #tpu.memory_space<vmem_shared>>
      %dma_wait3A_144 = arith.constant 0 : i32
      %dma_wait3A_145 = tpu.memref_slice %arg15[%add3A_31, %dma_wait3A_144] : memref<10240x128xf32, #tpu.memory_space<vmem_shared>> -> memref<80x128xf32, #tpu.memory_space<vmem_shared>>
      tpu.wait_dma2 semaphore(%run_scoped3A : memref<!tpu.dma_semaphore, #tpu.memory_space<semaphore_mem>>) src(%arg13 : memref<80x128xf32, #tpu.memory_space<vmem>>) dst(%dma_wait3A_145 : memref<80x128xf32, #tpu.memory_space<vmem_shared>>)
      tpu.yield
    }) : () -> ()
    %mul3A_32 = arith.constant 640 : i32
    %mul3A_33 = arith.muli %arg1, %mul3A_32 : i32
    %add3A_34 = arith.constant 80 : i32
    %add3A_35 = arith.addi %mul3A_33, %add3A_34 : i32
    "tpu.region"() ({
      %run_scoped3A = tpu.sem_alloc : memref<!tpu.dma_semaphore, #tpu.memory_space<semaphore_mem>>
      %dma_start3A_138 = arith.constant 0 : i32
      %dma_start3A_139 = tpu.memref_slice %arg15[%add3A_35, %dma_start3A_138] : memref<10240x128xf32, #tpu.memory_space<vmem_shared>> -> memref<80x128xf32, #tpu.memory_space<vmem_shared>>
      %dma_start3A_140 = arith.constant 0 : i32
      %dma_start3A_141 = tpu.memref_slice %arg15[%add3A_35, %dma_start3A_140] : memref<10240x128xf32, #tpu.memory_space<vmem_shared>> -> memref<80x128xf32, #tpu.memory_space<vmem_shared>>
      tpu.enqueue_dma source(%arg13 : memref<80x128xf32, #tpu.memory_space<vmem>>) target(%dma_start3A_141 : memref<80x128xf32, #tpu.memory_space<vmem_shared>>) target_semaphore(%run_scoped3A : memref<!tpu.dma_semaphore, #tpu.memory_space<semaphore_mem>>)
      %dma_wait3A_142 = arith.constant 0 : i32
      %dma_wait3A_143 = tpu.memref_slice %arg15[%add3A_35, %dma_wait3A_142] : memref<10240x128xf32, #tpu.memory_space<vmem_shared>> -> memref<80x128xf32, #tpu.memory_space<vmem_shared>>
      %dma_wait3A_144 = arith.constant 0 : i32
      %dma_wait3A_145 = tpu.memref_slice %arg15[%add3A_35, %dma_wait3A_144] : memref<10240x128xf32, #tpu.memory_space<vmem_shared>> -> memref<80x128xf32, #tpu.memory_space<vmem_shared>>
      tpu.wait_dma2 semaphore(%run_scoped3A : memref<!tpu.dma_semaphore, #tpu.memory_space<semaphore_mem>>) src(%arg13 : memref<80x128xf32, #tpu.memory_space<vmem>>) dst(%dma_wait3A_145 : memref<80x128xf32, #tpu.memory_space<vmem_shared>>)
      tpu.yield
    }) : () -> ()
    %mul3A_36 = arith.constant 640 : i32
    %mul3A_37 = arith.muli %arg1, %mul3A_36 : i32
    %add3A_38 = arith.constant 160 : i32
    %add3A_39 = arith.addi %mul3A_37, %add3A_38 : i32
    "tpu.region"() ({
      %run_scoped3A = tpu.sem_alloc : memref<!tpu.dma_semaphore, #tpu.memory_space<semaphore_mem>>
      %dma_start3A_138 = arith.constant 0 : i32
      %dma_start3A_139 = tpu.memref_slice %arg15[%add3A_39, %dma_start3A_138] : memref<10240x128xf32, #tpu.memory_space<vmem_shared>> -> memref<80x128xf32, #tpu.memory_space<vmem_shared>>
      %dma_start3A_140 = arith.constant 0 : i32
      %dma_start3A_141 = tpu.memref_slice %arg15[%add3A_39, %dma_start3A_140] : memref<10240x128xf32, #tpu.memory_space<vmem_shared>> -> memref<80x128xf32, #tpu.memory_space<vmem_shared>>
      tpu.enqueue_dma source(%arg13 : memref<80x128xf32, #tpu.memory_space<vmem>>) target(%dma_start3A_141 : memref<80x128xf32, #tpu.memory_space<vmem_shared>>) target_semaphore(%run_scoped3A : memref<!tpu.dma_semaphore, #tpu.memory_space<semaphore_mem>>)
      %dma_wait3A_142 = arith.constant 0 : i32
      %dma_wait3A_143 = tpu.memref_slice %arg15[%add3A_39, %dma_wait3A_142] : memref<10240x128xf32, #tpu.memory_space<vmem_shared>> -> memref<80x128xf32, #tpu.memory_space<vmem_shared>>
      %dma_wait3A_144 = arith.constant 0 : i32
      %dma_wait3A_145 = tpu.memref_slice %arg15[%add3A_39, %dma_wait3A_144] : memref<10240x128xf32, #tpu.memory_space<vmem_shared>> -> memref<80x128xf32, #tpu.memory_space<vmem_shared>>
      tpu.wait_dma2 semaphore(%run_scoped3A : memref<!tpu.dma_semaphore, #tpu.memory_space<semaphore_mem>>) src(%arg13 : memref<80x128xf32, #tpu.memory_space<vmem>>) dst(%dma_wait3A_145 : memref<80x128xf32, #tpu.memory_space<vmem_shared>>)
      tpu.yield
    }) : () -> ()
    %mul3A_40 = arith.constant 640 : i32
    %mul3A_41 = arith.muli %arg1, %mul3A_40 : i32
    %add3A_42 = arith.constant 240 : i32
    %add3A_43 = arith.addi %mul3A_41, %add3A_42 : i32
    "tpu.region"() ({
      %run_scoped3A = tpu.sem_alloc : memref<!tpu.dma_semaphore, #tpu.memory_space<semaphore_mem>>
      %dma_start3A_138 = arith.constant 0 : i32
      %dma_start3A_139 = tpu.memref_slice %arg15[%add3A_43, %dma_start3A_138] : memref<10240x128xf32, #tpu.memory_space<vmem_shared>> -> memref<80x128xf32, #tpu.memory_space<vmem_shared>>
      %dma_start3A_140 = arith.constant 0 : i32
      %dma_start3A_141 = tpu.memref_slice %arg15[%add3A_43, %dma_start3A_140] : memref<10240x128xf32, #tpu.memory_space<vmem_shared>> -> memref<80x128xf32, #tpu.memory_space<vmem_shared>>
      tpu.enqueue_dma source(%arg13 : memref<80x128xf32, #tpu.memory_space<vmem>>) target(%dma_start3A_141 : memref<80x128xf32, #tpu.memory_space<vmem_shared>>) target_semaphore(%run_scoped3A : memref<!tpu.dma_semaphore, #tpu.memory_space<semaphore_mem>>)
      %dma_wait3A_142 = arith.constant 0 : i32
      %dma_wait3A_143 = tpu.memref_slice %arg15[%add3A_43, %dma_wait3A_142] : memref<10240x128xf32, #tpu.memory_space<vmem_shared>> -> memref<80x128xf32, #tpu.memory_space<vmem_shared>>
      %dma_wait3A_144 = arith.constant 0 : i32
      %dma_wait3A_145 = tpu.memref_slice %arg15[%add3A_43, %dma_wait3A_144] : memref<10240x128xf32, #tpu.memory_space<vmem_shared>> -> memref<80x128xf32, #tpu.memory_space<vmem_shared>>
      tpu.wait_dma2 semaphore(%run_scoped3A : memref<!tpu.dma_semaphore, #tpu.memory_space<semaphore_mem>>) src(%arg13 : memref<80x128xf32, #tpu.memory_space<vmem>>) dst(%dma_wait3A_145 : memref<80x128xf32, #tpu.memory_space<vmem_shared>>)
      tpu.yield
    }) : () -> ()
    %mul3A_44 = arith.constant 640 : i32
    %mul3A_45 = arith.muli %arg1, %mul3A_44 : i32
    %add3A_46 = arith.constant 320 : i32
    %add3A_47 = arith.addi %mul3A_45, %add3A_46 : i32
    "tpu.region"() ({
      %run_scoped3A = tpu.sem_alloc : memref<!tpu.dma_semaphore, #tpu.memory_space<semaphore_mem>>
      %dma_start3A_138 = arith.constant 0 : i32
      %dma_start3A_139 = tpu.memref_slice %arg15[%add3A_47, %dma_start3A_138] : memref<10240x128xf32, #tpu.memory_space<vmem_shared>> -> memref<80x128xf32, #tpu.memory_space<vmem_shared>>
      %dma_start3A_140 = arith.constant 0 : i32
      %dma_start3A_141 = tpu.memref_slice %arg15[%add3A_47, %dma_start3A_140] : memref<10240x128xf32, #tpu.memory_space<vmem_shared>> -> memref<80x128xf32, #tpu.memory_space<vmem_shared>>
      tpu.enqueue_dma source(%arg13 : memref<80x128xf32, #tpu.memory_space<vmem>>) target(%dma_start3A_141 : memref<80x128xf32, #tpu.memory_space<vmem_shared>>) target_semaphore(%run_scoped3A : memref<!tpu.dma_semaphore, #tpu.memory_space<semaphore_mem>>)
      %dma_wait3A_142 = arith.constant 0 : i32
      %dma_wait3A_143 = tpu.memref_slice %arg15[%add3A_47, %dma_wait3A_142] : memref<10240x128xf32, #tpu.memory_space<vmem_shared>> -> memref<80x128xf32, #tpu.memory_space<vmem_shared>>
      %dma_wait3A_144 = arith.constant 0 : i32
      %dma_wait3A_145 = tpu.memref_slice %arg15[%add3A_47, %dma_wait3A_144] : memref<10240x128xf32, #tpu.memory_space<vmem_shared>> -> memref<80x128xf32, #tpu.memory_space<vmem_shared>>
      tpu.wait_dma2 semaphore(%run_scoped3A : memref<!tpu.dma_semaphore, #tpu.memory_space<semaphore_mem>>) src(%arg13 : memref<80x128xf32, #tpu.memory_space<vmem>>) dst(%dma_wait3A_145 : memref<80x128xf32, #tpu.memory_space<vmem_shared>>)
      tpu.yield
    }) : () -> ()
    %mul3A_48 = arith.constant 640 : i32
    %mul3A_49 = arith.muli %arg1, %mul3A_48 : i32
    %add3A_50 = arith.constant 400 : i32
    %add3A_51 = arith.addi %mul3A_49, %add3A_50 : i32
    "tpu.region"() ({
      %run_scoped3A = tpu.sem_alloc : memref<!tpu.dma_semaphore, #tpu.memory_space<semaphore_mem>>
      %dma_start3A_138 = arith.constant 0 : i32
      %dma_start3A_139 = tpu.memref_slice %arg15[%add3A_51, %dma_start3A_138] : memref<10240x128xf32, #tpu.memory_space<vmem_shared>> -> memref<80x128xf32, #tpu.memory_space<vmem_shared>>
      %dma_start3A_140 = arith.constant 0 : i32
      %dma_start3A_141 = tpu.memref_slice %arg15[%add3A_51, %dma_start3A_140] : memref<10240x128xf32, #tpu.memory_space<vmem_shared>> -> memref<80x128xf32, #tpu.memory_space<vmem_shared>>
      tpu.enqueue_dma source(%arg13 : memref<80x128xf32, #tpu.memory_space<vmem>>) target(%dma_start3A_141 : memref<80x128xf32, #tpu.memory_space<vmem_shared>>) target_semaphore(%run_scoped3A : memref<!tpu.dma_semaphore, #tpu.memory_space<semaphore_mem>>)
      %dma_wait3A_142 = arith.constant 0 : i32
      %dma_wait3A_143 = tpu.memref_slice %arg15[%add3A_51, %dma_wait3A_142] : memref<10240x128xf32, #tpu.memory_space<vmem_shared>> -> memref<80x128xf32, #tpu.memory_space<vmem_shared>>
      %dma_wait3A_144 = arith.constant 0 : i32
      %dma_wait3A_145 = tpu.memref_slice %arg15[%add3A_51, %dma_wait3A_144] : memref<10240x128xf32, #tpu.memory_space<vmem_shared>> -> memref<80x128xf32, #tpu.memory_space<vmem_shared>>
      tpu.wait_dma2 semaphore(%run_scoped3A : memref<!tpu.dma_semaphore, #tpu.memory_space<semaphore_mem>>) src(%arg13 : memref<80x128xf32, #tpu.memory_space<vmem>>) dst(%dma_wait3A_145 : memref<80x128xf32, #tpu.memory_space<vmem_shared>>)
      tpu.yield
    }) : () -> ()
    %mul3A_52 = arith.constant 640 : i32
    %mul3A_53 = arith.muli %arg1, %mul3A_52 : i32
    %add3A_54 = arith.constant 480 : i32
    %add3A_55 = arith.addi %mul3A_53, %add3A_54 : i32
    "tpu.region"() ({
      %run_scoped3A = tpu.sem_alloc : memref<!tpu.dma_semaphore, #tpu.memory_space<semaphore_mem>>
      %dma_start3A_138 = arith.constant 0 : i32
      %dma_start3A_139 = tpu.memref_slice %arg15[%add3A_55, %dma_start3A_138] : memref<10240x128xf32, #tpu.memory_space<vmem_shared>> -> memref<80x128xf32, #tpu.memory_space<vmem_shared>>
      %dma_start3A_140 = arith.constant 0 : i32
      %dma_start3A_141 = tpu.memref_slice %arg15[%add3A_55, %dma_start3A_140] : memref<10240x128xf32, #tpu.memory_space<vmem_shared>> -> memref<80x128xf32, #tpu.memory_space<vmem_shared>>
      tpu.enqueue_dma source(%arg13 : memref<80x128xf32, #tpu.memory_space<vmem>>) target(%dma_start3A_141 : memref<80x128xf32, #tpu.memory_space<vmem_shared>>) target_semaphore(%run_scoped3A : memref<!tpu.dma_semaphore, #tpu.memory_space<semaphore_mem>>)
      %dma_wait3A_142 = arith.constant 0 : i32
      %dma_wait3A_143 = tpu.memref_slice %arg15[%add3A_55, %dma_wait3A_142] : memref<10240x128xf32, #tpu.memory_space<vmem_shared>> -> memref<80x128xf32, #tpu.memory_space<vmem_shared>>
      %dma_wait3A_144 = arith.constant 0 : i32
      %dma_wait3A_145 = tpu.memref_slice %arg15[%add3A_55, %dma_wait3A_144] : memref<10240x128xf32, #tpu.memory_space<vmem_shared>> -> memref<80x128xf32, #tpu.memory_space<vmem_shared>>
      tpu.wait_dma2 semaphore(%run_scoped3A : memref<!tpu.dma_semaphore, #tpu.memory_space<semaphore_mem>>) src(%arg13 : memref<80x128xf32, #tpu.memory_space<vmem>>) dst(%dma_wait3A_145 : memref<80x128xf32, #tpu.memory_space<vmem_shared>>)
      tpu.yield
    }) : () -> ()
    %mul3A_56 = arith.constant 640 : i32
    %mul3A_57 = arith.muli %arg1, %mul3A_56 : i32
    %add3A_58 = arith.constant 560 : i32
    %add3A_59 = arith.addi %mul3A_57, %add3A_58 : i32
    "tpu.region"() ({
      %run_scoped3A = tpu.sem_alloc : memref<!tpu.dma_semaphore, #tpu.memory_space<semaphore_mem>>
      %dma_start3A_138 = arith.constant 0 : i32
      %dma_start3A_139 = tpu.memref_slice %arg15[%add3A_59, %dma_start3A_138] : memref<10240x128xf32, #tpu.memory_space<vmem_shared>> -> memref<80x128xf32, #tpu.memory_space<vmem_shared>>
      %dma_start3A_140 = arith.constant 0 : i32
      %dma_start3A_141 = tpu.memref_slice %arg15[%add3A_59, %dma_start3A_140] : memref<10240x128xf32, #tpu.memory_space<vmem_shared>> -> memref<80x128xf32, #tpu.memory_space<vmem_shared>>
      tpu.enqueue_dma source(%arg13 : memref<80x128xf32, #tpu.memory_space<vmem>>) target(%dma_start3A_141 : memref<80x128xf32, #tpu.memory_space<vmem_shared>>) target_semaphore(%run_scoped3A : memref<!tpu.dma_semaphore, #tpu.memory_space<semaphore_mem>>)
      %dma_wait3A_142 = arith.constant 0 : i32
      %dma_wait3A_143 = tpu.memref_slice %arg15[%add3A_59, %dma_wait3A_142] : memref<10240x128xf32, #tpu.memory_space<vmem_shared>> -> memref<80x128xf32, #tpu.memory_space<vmem_shared>>
      %dma_wait3A_144 = arith.constant 0 : i32
      %dma_wait3A_145 = tpu.memref_slice %arg15[%add3A_59, %dma_wait3A_144] : memref<10240x128xf32, #tpu.memory_space<vmem_shared>> -> memref<80x128xf32, #tpu.memory_space<vmem_shared>>
      tpu.wait_dma2 semaphore(%run_scoped3A : memref<!tpu.dma_semaphore, #tpu.memory_space<semaphore_mem>>) src(%arg13 : memref<80x128xf32, #tpu.memory_space<vmem>>) dst(%dma_wait3A_145 : memref<80x128xf32, #tpu.memory_space<vmem_shared>>)
      tpu.yield
    }) : () -> ()
    %barrier3A = arith.constant 0 : index
    tpu.barrier barrier_id(%barrier3A)
    %add3A_60 = arith.constant 0 : i32
    %add3A_61 = arith.addi %mul3A_2, %add3A_60 : i32
    %dma_wait3A = tpu.memref_slice %arg2[%add3A_61] : memref<320000xi32, #tpu.memory_space<hbm>> -> memref<80xi32, #tpu.memory_space<hbm>>
    %dma_wait3A_62 = tpu.memref_slice %arg2[%add3A_61] : memref<320000xi32, #tpu.memory_space<hbm>> -> memref<80xi32, #tpu.memory_space<hbm>>
    tpu.wait_dma2 semaphore(%arg16 : memref<!tpu.dma_semaphore, #tpu.memory_space<semaphore_mem>>) src(%dma_wait3A_62 : memref<80xi32, #tpu.memory_space<hbm>>) dst(%arg7 : memref<80xi32, #tpu.memory_space<vmem>>)
    %dma_wait3A_63 = tpu.memref_slice %arg3[%add3A_61] : memref<320000xi32, #tpu.memory_space<hbm>> -> memref<80xi32, #tpu.memory_space<hbm>>
    %dma_wait3A_64 = tpu.memref_slice %arg3[%add3A_61] : memref<320000xi32, #tpu.memory_space<hbm>> -> memref<80xi32, #tpu.memory_space<hbm>>
    tpu.wait_dma2 semaphore(%arg16 : memref<!tpu.dma_semaphore, #tpu.memory_space<semaphore_mem>>) src(%dma_wait3A_64 : memref<80xi32, #tpu.memory_space<hbm>>) dst(%arg9 : memref<80xi32, #tpu.memory_space<vmem>>)
    %dma_wait3A_65 = arith.constant 0 : i32
    %dma_wait3A_66 = tpu.memref_slice %arg4[%add3A_61, %dma_wait3A_65] : memref<320000x128xf32, #tpu.memory_space<hbm>> -> memref<80x128xf32, #tpu.memory_space<hbm>>
    %dma_wait3A_67 = arith.constant 0 : i32
    %dma_wait3A_68 = tpu.memref_slice %arg4[%add3A_61, %dma_wait3A_67] : memref<320000x128xf32, #tpu.memory_space<hbm>> -> memref<80x128xf32, #tpu.memory_space<hbm>>
    tpu.wait_dma2 semaphore(%arg16 : memref<!tpu.dma_semaphore, #tpu.memory_space<semaphore_mem>>) src(%dma_wait3A_68 : memref<80x128xf32, #tpu.memory_space<hbm>>) dst(%arg11 : memref<80x128xf32, #tpu.memory_space<vmem>>)
    %dma_start3A_69 = arith.constant 0 : i32
    %dma_start3A_70 = arith.constant 0 : i32
    %dma_start3A_71 = tpu.memref_slice %arg5[%dma_start3A_69, %dma_start3A_70] : memref<10000x128xf32, #tpu.memory_space<hbm>> -> memref<10000x128xf32, #tpu.memory_space<hbm>>
    tpu.enqueue_indirect_dma source(%dma_start3A_71 : memref<10000x128xf32, #tpu.memory_space<hbm>>) target(%arg13 : memref<80x128xf32, #tpu.memory_space<vmem>>) offsets(%arg9 : memref<80xi32, #tpu.memory_space<vmem>>) semaphore(%arg18 : memref<!tpu.dma_semaphore, #tpu.memory_space<semaphore_mem>>)
    %scan3A_72 = arith.constant 0 : i32
    %scan3A_73 = arith.constant 0 : i32
    %scan3A_74 = arith.constant 62 : i32
    %scan3A_75 = arith.addi %scan3A_73, %scan3A_74 : i32
    %scan3A_76 = arith.constant 1 : i32
    scf.for %scan3A_138 = %scan3A_73 to %scan3A_75 step %scan3A_76  : i32 {
      %mul3A_139 = arith.constant 2 : i32
      %mul3A_140 = arith.muli %mul3A_139, %scan3A_138 : i32
      %add3A_141 = arith.constant 1 : i32
      %add3A_142 = arith.addi %mul3A_140, %add3A_141 : i32
      %mul3A_143 = arith.constant 80 : i32
      %mul3A_144 = arith.muli %add3A_142, %mul3A_143 : i32
      %add3A_145 = arith.addi %mul3A_2, %mul3A_144 : i32
      %dma_wait3A_146 = tpu.memref_slice %arg2[%add3A_145] : memref<320000xi32, #tpu.memory_space<hbm>> -> memref<80xi32, #tpu.memory_space<hbm>>
      %dma_wait3A_147 = tpu.memref_slice %arg2[%add3A_145] : memref<320000xi32, #tpu.memory_space<hbm>> -> memref<80xi32, #tpu.memory_space<hbm>>
      tpu.wait_dma2 semaphore(%arg17 : memref<!tpu.dma_semaphore, #tpu.memory_space<semaphore_mem>>) src(%dma_wait3A_147 : memref<80xi32, #tpu.memory_space<hbm>>) dst(%arg8 : memref<80xi32, #tpu.memory_space<vmem>>)
      %dma_wait3A_148 = tpu.memref_slice %arg3[%add3A_145] : memref<320000xi32, #tpu.memory_space<hbm>> -> memref<80xi32, #tpu.memory_space<hbm>>
      %dma_wait3A_149 = tpu.memref_slice %arg3[%add3A_145] : memref<320000xi32, #tpu.memory_space<hbm>> -> memref<80xi32, #tpu.memory_space<hbm>>
      tpu.wait_dma2 semaphore(%arg17 : memref<!tpu.dma_semaphore, #tpu.memory_space<semaphore_mem>>) src(%dma_wait3A_149 : memref<80xi32, #tpu.memory_space<hbm>>) dst(%arg10 : memref<80xi32, #tpu.memory_space<vmem>>)
      %dma_wait3A_150 = arith.constant 0 : i32
      %dma_wait3A_151 = tpu.memref_slice %arg4[%add3A_145, %dma_wait3A_150] : memref<320000x128xf32, #tpu.memory_space<hbm>> -> memref<80x128xf32, #tpu.memory_space<hbm>>
      %dma_wait3A_152 = arith.constant 0 : i32
      %dma_wait3A_153 = tpu.memref_slice %arg4[%add3A_145, %dma_wait3A_152] : memref<320000x128xf32, #tpu.memory_space<hbm>> -> memref<80x128xf32, #tpu.memory_space<hbm>>
      tpu.wait_dma2 semaphore(%arg17 : memref<!tpu.dma_semaphore, #tpu.memory_space<semaphore_mem>>) src(%dma_wait3A_153 : memref<80x128xf32, #tpu.memory_space<hbm>>) dst(%arg12 : memref<80x128xf32, #tpu.memory_space<vmem>>)
      %dma_start3A_154 = arith.constant 0 : i32
      %dma_start3A_155 = arith.constant 0 : i32
      %dma_start3A_156 = tpu.memref_slice %arg5[%dma_start3A_154, %dma_start3A_155] : memref<10000x128xf32, #tpu.memory_space<hbm>> -> memref<10000x128xf32, #tpu.memory_space<hbm>>
      tpu.enqueue_indirect_dma source(%dma_start3A_156 : memref<10000x128xf32, #tpu.memory_space<hbm>>) target(%arg14 : memref<80x128xf32, #tpu.memory_space<vmem>>) offsets(%arg10 : memref<80xi32, #tpu.memory_space<vmem>>) semaphore(%arg19 : memref<!tpu.dma_semaphore, #tpu.memory_space<semaphore_mem>>)
      %dma_wait3A_157 = arith.constant 0 : i32
      %dma_wait3A_158 = arith.constant 0 : i32
      %dma_wait3A_159 = tpu.memref_slice %arg5[%dma_wait3A_157, %dma_wait3A_158] : memref<10000x128xf32, #tpu.memory_space<hbm>> -> memref<10000x128xf32, #tpu.memory_space<hbm>>
      tpu.wait_indirect_dma semaphore(%arg18 : memref<!tpu.dma_semaphore, #tpu.memory_space<semaphore_mem>>) src(%dma_wait3A_159 : memref<10000x128xf32, #tpu.memory_space<hbm>>) dst(%arg13 : memref<80x128xf32, #tpu.memory_space<vmem>>)
      "tpu.region"() ({
        %run_scoped3A = tpu.sem_alloc : memref<!tpu.dma_semaphore, #tpu.memory_space<semaphore_mem>>
        %dma_start3A_194 = arith.constant 0 : i32
        %dma_start3A_195 = arith.constant 0 : i32
        %dma_start3A_196 = tpu.memref_slice %arg15[%dma_start3A_194, %dma_start3A_195] : memref<10240x128xf32, #tpu.memory_space<vmem_shared>> -> memref<10240x128xf32, #tpu.memory_space<vmem_shared>>
        tpu.enqueue_indirect_dma source(%arg11 : memref<80x128xf32, #tpu.memory_space<vmem>>) target(%dma_start3A_196 : memref<10240x128xf32, #tpu.memory_space<vmem_shared>>) offsets(%arg7 : memref<80xi32, #tpu.memory_space<vmem>>) semaphore(%run_scoped3A : memref<!tpu.dma_semaphore, #tpu.memory_space<semaphore_mem>>) {add = true}
        %dma_wait3A_197 = arith.constant 0 : i32
        %dma_wait3A_198 = arith.constant 0 : i32
        %dma_wait3A_199 = tpu.memref_slice %arg15[%dma_wait3A_197, %dma_wait3A_198] : memref<10240x128xf32, #tpu.memory_space<vmem_shared>> -> memref<10240x128xf32, #tpu.memory_space<vmem_shared>>
        tpu.wait_indirect_dma semaphore(%run_scoped3A : memref<!tpu.dma_semaphore, #tpu.memory_space<semaphore_mem>>) src(%arg11 : memref<80x128xf32, #tpu.memory_space<vmem>>) dst(%dma_wait3A_199 : memref<10240x128xf32, #tpu.memory_space<vmem_shared>>)
        tpu.yield
      }) : () -> ()
      "tpu.region"() ({
        %run_scoped3A = tpu.sem_alloc : memref<!tpu.dma_semaphore, #tpu.memory_space<semaphore_mem>>
        %dma_start3A_194 = arith.constant 0 : i32
        %dma_start3A_195 = arith.constant 0 : i32
        %dma_start3A_196 = tpu.memref_slice %arg15[%dma_start3A_194, %dma_start3A_195] : memref<10240x128xf32, #tpu.memory_space<vmem_shared>> -> memref<10240x128xf32, #tpu.memory_space<vmem_shared>>
        tpu.enqueue_indirect_dma source(%arg13 : memref<80x128xf32, #tpu.memory_space<vmem>>) target(%dma_start3A_196 : memref<10240x128xf32, #tpu.memory_space<vmem_shared>>) offsets(%arg7 : memref<80xi32, #tpu.memory_space<vmem>>) semaphore(%run_scoped3A : memref<!tpu.dma_semaphore, #tpu.memory_space<semaphore_mem>>) {add = true}
        %dma_wait3A_197 = arith.constant 0 : i32
        %dma_wait3A_198 = arith.constant 0 : i32
        %dma_wait3A_199 = tpu.memref_slice %arg15[%dma_wait3A_197, %dma_wait3A_198] : memref<10240x128xf32, #tpu.memory_space<vmem_shared>> -> memref<10240x128xf32, #tpu.memory_space<vmem_shared>>
        tpu.wait_indirect_dma semaphore(%run_scoped3A : memref<!tpu.dma_semaphore, #tpu.memory_space<semaphore_mem>>) src(%arg13 : memref<80x128xf32, #tpu.memory_space<vmem>>) dst(%dma_wait3A_199 : memref<10240x128xf32, #tpu.memory_space<vmem_shared>>)
        tpu.yield
      }) : () -> ()
      %add3A_160 = arith.constant 2 : i32
      %add3A_161 = arith.addi %mul3A_140, %add3A_160 : i32
      %lt3A = arith.constant 125 : i32
      %lt3A_162 = arith.cmpi slt, %add3A_161, %lt3A : i32
      %convert_element_type3A = arith.extui %lt3A_162 : i1 to i32
      %cond3A = arith.constant 0 : i32
      %cond3A_163 = arith.cmpi ne, %convert_element_type3A, %cond3A : i32
      scf.if %cond3A_163 {
        %add3A_194 = arith.constant 2 : i32
        %add3A_195 = arith.addi %mul3A_140, %add3A_194 : i32
        %mul3A_196 = arith.constant 80 : i32
        %mul3A_197 = arith.muli %add3A_195, %mul3A_196 : i32
        %add3A_198 = arith.addi %mul3A_2, %mul3A_197 : i32
        %dma_start3A_199 = tpu.memref_slice %arg2[%add3A_198] : memref<320000xi32, #tpu.memory_space<hbm>> -> memref<80xi32, #tpu.memory_space<hbm>>
        %dma_start3A_200 = tpu.memref_slice %arg2[%add3A_198] : memref<320000xi32, #tpu.memory_space<hbm>> -> memref<80xi32, #tpu.memory_space<hbm>>
        tpu.enqueue_dma source(%dma_start3A_200 : memref<80xi32, #tpu.memory_space<hbm>>) target(%arg7 : memref<80xi32, #tpu.memory_space<vmem>>) target_semaphore(%arg16 : memref<!tpu.dma_semaphore, #tpu.memory_space<semaphore_mem>>)
        %dma_start3A_201 = tpu.memref_slice %arg3[%add3A_198] : memref<320000xi32, #tpu.memory_space<hbm>> -> memref<80xi32, #tpu.memory_space<hbm>>
        %dma_start3A_202 = tpu.memref_slice %arg3[%add3A_198] : memref<320000xi32, #tpu.memory_space<hbm>> -> memref<80xi32, #tpu.memory_space<hbm>>
        tpu.enqueue_dma source(%dma_start3A_202 : memref<80xi32, #tpu.memory_space<hbm>>) target(%arg9 : memref<80xi32, #tpu.memory_space<vmem>>) target_semaphore(%arg16 : memref<!tpu.dma_semaphore, #tpu.memory_space<semaphore_mem>>)
        %dma_start3A_203 = arith.constant 0 : i32
        %dma_start3A_204 = tpu.memref_slice %arg4[%add3A_198, %dma_start3A_203] : memref<320000x128xf32, #tpu.memory_space<hbm>> -> memref<80x128xf32, #tpu.memory_space<hbm>>
        %dma_start3A_205 = arith.constant 0 : i32
        %dma_start3A_206 = tpu.memref_slice %arg4[%add3A_198, %dma_start3A_205] : memref<320000x128xf32, #tpu.memory_space<hbm>> -> memref<80x128xf32, #tpu.memory_space<hbm>>
        tpu.enqueue_dma source(%dma_start3A_206 : memref<80x128xf32, #tpu.memory_space<hbm>>) target(%arg11 : memref<80x128xf32, #tpu.memory_space<vmem>>) target_semaphore(%arg16 : memref<!tpu.dma_semaphore, #tpu.memory_space<semaphore_mem>>)
      } else {
      }
      %mul3A_164 = arith.constant 2 : i32
      %mul3A_165 = arith.muli %mul3A_164, %scan3A_138 : i32
      %add3A_166 = arith.constant 1 : i32
      %add3A_167 = arith.addi %mul3A_165, %add3A_166 : i32
      %add3A_168 = arith.constant 1 : i32
      %add3A_169 = arith.addi %add3A_167, %add3A_168 : i32
      %mul3A_170 = arith.constant 80 : i32
      %mul3A_171 = arith.muli %add3A_169, %mul3A_170 : i32
      %add3A_172 = arith.addi %mul3A_2, %mul3A_171 : i32
      %dma_wait3A_173 = tpu.memref_slice %arg2[%add3A_172] : memref<320000xi32, #tpu.memory_space<hbm>> -> memref<80xi32, #tpu.memory_space<hbm>>
      %dma_wait3A_174 = tpu.memref_slice %arg2[%add3A_172] : memref<320000xi32, #tpu.memory_space<hbm>> -> memref<80xi32, #tpu.memory_space<hbm>>
      tpu.wait_dma2 semaphore(%arg16 : memref<!tpu.dma_semaphore, #tpu.memory_space<semaphore_mem>>) src(%dma_wait3A_174 : memref<80xi32, #tpu.memory_space<hbm>>) dst(%arg7 : memref<80xi32, #tpu.memory_space<vmem>>)
      %dma_wait3A_175 = tpu.memref_slice %arg3[%add3A_172] : memref<320000xi32, #tpu.memory_space<hbm>> -> memref<80xi32, #tpu.memory_space<hbm>>
      %dma_wait3A_176 = tpu.memref_slice %arg3[%add3A_172] : memref<320000xi32, #tpu.memory_space<hbm>> -> memref<80xi32, #tpu.memory_space<hbm>>
      tpu.wait_dma2 semaphore(%arg16 : memref<!tpu.dma_semaphore, #tpu.memory_space<semaphore_mem>>) src(%dma_wait3A_176 : memref<80xi32, #tpu.memory_space<hbm>>) dst(%arg9 : memref<80xi32, #tpu.memory_space<vmem>>)
      %dma_wait3A_177 = arith.constant 0 : i32
      %dma_wait3A_178 = tpu.memref_slice %arg4[%add3A_172, %dma_wait3A_177] : memref<320000x128xf32, #tpu.memory_space<hbm>> -> memref<80x128xf32, #tpu.memory_space<hbm>>
      %dma_wait3A_179 = arith.constant 0 : i32
      %dma_wait3A_180 = tpu.memref_slice %arg4[%add3A_172, %dma_wait3A_179] : memref<320000x128xf32, #tpu.memory_space<hbm>> -> memref<80x128xf32, #tpu.memory_space<hbm>>
      tpu.wait_dma2 semaphore(%arg16 : memref<!tpu.dma_semaphore, #tpu.memory_space<semaphore_mem>>) src(%dma_wait3A_180 : memref<80x128xf32, #tpu.memory_space<hbm>>) dst(%arg11 : memref<80x128xf32, #tpu.memory_space<vmem>>)
      %dma_start3A_181 = arith.constant 0 : i32
      %dma_start3A_182 = arith.constant 0 : i32
      %dma_start3A_183 = tpu.memref_slice %arg5[%dma_start3A_181, %dma_start3A_182] : memref<10000x128xf32, #tpu.memory_space<hbm>> -> memref<10000x128xf32, #tpu.memory_space<hbm>>
      tpu.enqueue_indirect_dma source(%dma_start3A_183 : memref<10000x128xf32, #tpu.memory_space<hbm>>) target(%arg13 : memref<80x128xf32, #tpu.memory_space<vmem>>) offsets(%arg9 : memref<80xi32, #tpu.memory_space<vmem>>) semaphore(%arg18 : memref<!tpu.dma_semaphore, #tpu.memory_space<semaphore_mem>>)
      %dma_wait3A_184 = arith.constant 0 : i32
      %dma_wait3A_185 = arith.constant 0 : i32
      %dma_wait3A_186 = tpu.memref_slice %arg5[%dma_wait3A_184, %dma_wait3A_185] : memref<10000x128xf32, #tpu.memory_space<hbm>> -> memref<10000x128xf32, #tpu.memory_space<hbm>>
      tpu.wait_indirect_dma semaphore(%arg19 : memref<!tpu.dma_semaphore, #tpu.memory_space<semaphore_mem>>) src(%dma_wait3A_186 : memref<10000x128xf32, #tpu.memory_space<hbm>>) dst(%arg14 : memref<80x128xf32, #tpu.memory_space<vmem>>)
      "tpu.region"() ({
        %run_scoped3A = tpu.sem_alloc : memref<!tpu.dma_semaphore, #tpu.memory_space<semaphore_mem>>
        %dma_start3A_194 = arith.constant 0 : i32
        %dma_start3A_195 = arith.constant 0 : i32
        %dma_start3A_196 = tpu.memref_slice %arg15[%dma_start3A_194, %dma_start3A_195] : memref<10240x128xf32, #tpu.memory_space<vmem_shared>> -> memref<10240x128xf32, #tpu.memory_space<vmem_shared>>
        tpu.enqueue_indirect_dma source(%arg12 : memref<80x128xf32, #tpu.memory_space<vmem>>) target(%dma_start3A_196 : memref<10240x128xf32, #tpu.memory_space<vmem_shared>>) offsets(%arg8 : memref<80xi32, #tpu.memory_space<vmem>>) semaphore(%run_scoped3A : memref<!tpu.dma_semaphore, #tpu.memory_space<semaphore_mem>>) {add = true}
        %dma_wait3A_197 = arith.constant 0 : i32
        %dma_wait3A_198 = arith.constant 0 : i32
        %dma_wait3A_199 = tpu.memref_slice %arg15[%dma_wait3A_197, %dma_wait3A_198] : memref<10240x128xf32, #tpu.memory_space<vmem_shared>> -> memref<10240x128xf32, #tpu.memory_space<vmem_shared>>
        tpu.wait_indirect_dma semaphore(%run_scoped3A : memref<!tpu.dma_semaphore, #tpu.memory_space<semaphore_mem>>) src(%arg12 : memref<80x128xf32, #tpu.memory_space<vmem>>) dst(%dma_wait3A_199 : memref<10240x128xf32, #tpu.memory_space<vmem_shared>>)
        tpu.yield
      }) : () -> ()
      "tpu.region"() ({
        %run_scoped3A = tpu.sem_alloc : memref<!tpu.dma_semaphore, #tpu.memory_space<semaphore_mem>>
        %dma_start3A_194 = arith.constant 0 : i32
        %dma_start3A_195 = arith.constant 0 : i32
        %dma_start3A_196 = tpu.memref_slice %arg15[%dma_start3A_194, %dma_start3A_195] : memref<10240x128xf32, #tpu.memory_space<vmem_shared>> -> memref<10240x128xf32, #tpu.memory_space<vmem_shared>>
        tpu.enqueue_indirect_dma source(%arg14 : memref<80x128xf32, #tpu.memory_space<vmem>>) target(%dma_start3A_196 : memref<10240x128xf32, #tpu.memory_space<vmem_shared>>) offsets(%arg8 : memref<80xi32, #tpu.memory_space<vmem>>) semaphore(%run_scoped3A : memref<!tpu.dma_semaphore, #tpu.memory_space<semaphore_mem>>) {add = true}
        %dma_wait3A_197 = arith.constant 0 : i32
        %dma_wait3A_198 = arith.constant 0 : i32
        %dma_wait3A_199 = tpu.memref_slice %arg15[%dma_wait3A_197, %dma_wait3A_198] : memref<10240x128xf32, #tpu.memory_space<vmem_shared>> -> memref<10240x128xf32, #tpu.memory_space<vmem_shared>>
        tpu.wait_indirect_dma semaphore(%run_scoped3A : memref<!tpu.dma_semaphore, #tpu.memory_space<semaphore_mem>>) src(%arg14 : memref<80x128xf32, #tpu.memory_space<vmem>>) dst(%dma_wait3A_199 : memref<10240x128xf32, #tpu.memory_space<vmem_shared>>)
        tpu.yield
      }) : () -> ()
      %add3A_187 = arith.constant 2 : i32
      %add3A_188 = arith.addi %add3A_167, %add3A_187 : i32
      %lt3A_189 = arith.constant 125 : i32
      %lt3A_190 = arith.cmpi slt, %add3A_188, %lt3A_189 : i32
      %convert_element_type3A_191 = arith.extui %lt3A_190 : i1 to i32
      %cond3A_192 = arith.constant 0 : i32
      %cond3A_193 = arith.cmpi ne, %convert_element_type3A_191, %cond3A_192 : i32
      scf.if %cond3A_193 {
        %add3A_194 = arith.constant 2 : i32
        %add3A_195 = arith.addi %add3A_167, %add3A_194 : i32
        %mul3A_196 = arith.constant 80 : i32
        %mul3A_197 = arith.muli %add3A_195, %mul3A_196 : i32
        %add3A_198 = arith.addi %mul3A_2, %mul3A_197 : i32
        %dma_start3A_199 = tpu.memref_slice %arg2[%add3A_198] : memref<320000xi32, #tpu.memory_space<hbm>> -> memref<80xi32, #tpu.memory_space<hbm>>
        %dma_start3A_200 = tpu.memref_slice %arg2[%add3A_198] : memref<320000xi32, #tpu.memory_space<hbm>> -> memref<80xi32, #tpu.memory_space<hbm>>
        tpu.enqueue_dma source(%dma_start3A_200 : memref<80xi32, #tpu.memory_space<hbm>>) target(%arg8 : memref<80xi32, #tpu.memory_space<vmem>>) target_semaphore(%arg17 : memref<!tpu.dma_semaphore, #tpu.memory_space<semaphore_mem>>)
        %dma_start3A_201 = tpu.memref_slice %arg3[%add3A_198] : memref<320000xi32, #tpu.memory_space<hbm>> -> memref<80xi32, #tpu.memory_space<hbm>>
        %dma_start3A_202 = tpu.memref_slice %arg3[%add3A_198] : memref<320000xi32, #tpu.memory_space<hbm>> -> memref<80xi32, #tpu.memory_space<hbm>>
        tpu.enqueue_dma source(%dma_start3A_202 : memref<80xi32, #tpu.memory_space<hbm>>) target(%arg10 : memref<80xi32, #tpu.memory_space<vmem>>) target_semaphore(%arg17 : memref<!tpu.dma_semaphore, #tpu.memory_space<semaphore_mem>>)
        %dma_start3A_203 = arith.constant 0 : i32
        %dma_start3A_204 = tpu.memref_slice %arg4[%add3A_198, %dma_start3A_203] : memref<320000x128xf32, #tpu.memory_space<hbm>> -> memref<80x128xf32, #tpu.memory_space<hbm>>
        %dma_start3A_205 = arith.constant 0 : i32
        %dma_start3A_206 = tpu.memref_slice %arg4[%add3A_198, %dma_start3A_205] : memref<320000x128xf32, #tpu.memory_space<hbm>> -> memref<80x128xf32, #tpu.memory_space<hbm>>
        tpu.enqueue_dma source(%dma_start3A_206 : memref<80x128xf32, #tpu.memory_space<hbm>>) target(%arg12 : memref<80x128xf32, #tpu.memory_space<vmem>>) target_semaphore(%arg17 : memref<!tpu.dma_semaphore, #tpu.memory_space<semaphore_mem>>)
      } else {
      }
    }
    %scan3A_77 = arith.constant 62 : i32
    %dma_wait3A_78 = arith.constant 0 : i32
    %dma_wait3A_79 = arith.constant 0 : i32
    %dma_wait3A_80 = tpu.memref_slice %arg5[%dma_wait3A_78, %dma_wait3A_79] : memref<10000x128xf32, #tpu.memory_space<hbm>> -> memref<10000x128xf32, #tpu.memory_space<hbm>>
    tpu.wait_indirect_dma semaphore(%arg18 : memref<!tpu.dma_semaphore, #tpu.memory_space<semaphore_mem>>) src(%dma_wait3A_80 : memref<10000x128xf32, #tpu.memory_space<hbm>>) dst(%arg13 : memref<80x128xf32, #tpu.memory_space<vmem>>)
    "tpu.region"() ({
      %run_scoped3A = tpu.sem_alloc : memref<!tpu.dma_semaphore, #tpu.memory_space<semaphore_mem>>
      %dma_start3A_138 = arith.constant 0 : i32
      %dma_start3A_139 = arith.constant 0 : i32
      %dma_start3A_140 = tpu.memref_slice %arg15[%dma_start3A_138, %dma_start3A_139] : memref<10240x128xf32, #tpu.memory_space<vmem_shared>> -> memref<10240x128xf32, #tpu.memory_space<vmem_shared>>
      tpu.enqueue_indirect_dma source(%arg11 : memref<80x128xf32, #tpu.memory_space<vmem>>) target(%dma_start3A_140 : memref<10240x128xf32, #tpu.memory_space<vmem_shared>>) offsets(%arg7 : memref<80xi32, #tpu.memory_space<vmem>>) semaphore(%run_scoped3A : memref<!tpu.dma_semaphore, #tpu.memory_space<semaphore_mem>>) {add = true}
      %dma_wait3A_141 = arith.constant 0 : i32
      %dma_wait3A_142 = arith.constant 0 : i32
      %dma_wait3A_143 = tpu.memref_slice %arg15[%dma_wait3A_141, %dma_wait3A_142] : memref<10240x128xf32, #tpu.memory_space<vmem_shared>> -> memref<10240x128xf32, #tpu.memory_space<vmem_shared>>
      tpu.wait_indirect_dma semaphore(%run_scoped3A : memref<!tpu.dma_semaphore, #tpu.memory_space<semaphore_mem>>) src(%arg11 : memref<80x128xf32, #tpu.memory_space<vmem>>) dst(%dma_wait3A_143 : memref<10240x128xf32, #tpu.memory_space<vmem_shared>>)
      tpu.yield
    }) : () -> ()
    "tpu.region"() ({
      %run_scoped3A = tpu.sem_alloc : memref<!tpu.dma_semaphore, #tpu.memory_space<semaphore_mem>>
      %dma_start3A_138 = arith.constant 0 : i32
      %dma_start3A_139 = arith.constant 0 : i32
      %dma_start3A_140 = tpu.memref_slice %arg15[%dma_start3A_138, %dma_start3A_139] : memref<10240x128xf32, #tpu.memory_space<vmem_shared>> -> memref<10240x128xf32, #tpu.memory_space<vmem_shared>>
      tpu.enqueue_indirect_dma source(%arg13 : memref<80x128xf32, #tpu.memory_space<vmem>>) target(%dma_start3A_140 : memref<10240x128xf32, #tpu.memory_space<vmem_shared>>) offsets(%arg7 : memref<80xi32, #tpu.memory_space<vmem>>) semaphore(%run_scoped3A : memref<!tpu.dma_semaphore, #tpu.memory_space<semaphore_mem>>) {add = true}
      %dma_wait3A_141 = arith.constant 0 : i32
      %dma_wait3A_142 = arith.constant 0 : i32
      %dma_wait3A_143 = tpu.memref_slice %arg15[%dma_wait3A_141, %dma_wait3A_142] : memref<10240x128xf32, #tpu.memory_space<vmem_shared>> -> memref<10240x128xf32, #tpu.memory_space<vmem_shared>>
      tpu.wait_indirect_dma semaphore(%run_scoped3A : memref<!tpu.dma_semaphore, #tpu.memory_space<semaphore_mem>>) src(%arg13 : memref<80x128xf32, #tpu.memory_space<vmem>>) dst(%dma_wait3A_143 : memref<10240x128xf32, #tpu.memory_space<vmem_shared>>)
      tpu.yield
    }) : () -> ()
    %barrier3A_81 = arith.constant 0 : index
    tpu.barrier barrier_id(%barrier3A_81)
    %mul3A_82 = arith.constant 640 : i32
    %mul3A_83 = arith.muli %arg1, %mul3A_82 : i32
    %add3A_84 = arith.constant 0 : i32
    %add3A_85 = arith.addi %mul3A_83, %add3A_84 : i32
    %mul3A_86 = arith.constant 10240 : i32
    %mul3A_87 = arith.muli %arg0, %mul3A_86 : i32
    %add3A_88 = arith.addi %mul3A_87, %add3A_85 : i32
    "tpu.region"() ({
      %run_scoped3A = tpu.sem_alloc : memref<!tpu.dma_semaphore, #tpu.memory_space<semaphore_mem>>
      %dma_start3A_138 = arith.constant 0 : i32
      %dma_start3A_139 = tpu.memref_slice %arg6[%add3A_88, %dma_start3A_138] : memref<20480x128xf32, #tpu.memory_space<hbm>> -> memref<80x128xf32, #tpu.memory_space<hbm>>
      %dma_start3A_140 = arith.constant 0 : i32
      %dma_start3A_141 = tpu.memref_slice %arg15[%add3A_85, %dma_start3A_140] : memref<10240x128xf32, #tpu.memory_space<vmem_shared>> -> memref<80x128xf32, #tpu.memory_space<vmem_shared>>
      tpu.enqueue_dma source(%dma_start3A_141 : memref<80x128xf32, #tpu.memory_space<vmem_shared>>) target(%dma_start3A_139 : memref<80x128xf32, #tpu.memory_space<hbm>>) target_semaphore(%run_scoped3A : memref<!tpu.dma_semaphore, #tpu.memory_space<semaphore_mem>>)
      %dma_wait3A_142 = arith.constant 0 : i32
      %dma_wait3A_143 = tpu.memref_slice %arg6[%add3A_88, %dma_wait3A_142] : memref<20480x128xf32, #tpu.memory_space<hbm>> -> memref<80x128xf32, #tpu.memory_space<hbm>>
      %dma_wait3A_144 = arith.constant 0 : i32
      %dma_wait3A_145 = tpu.memref_slice %arg15[%add3A_85, %dma_wait3A_144] : memref<10240x128xf32, #tpu.memory_space<vmem_shared>> -> memref<80x128xf32, #tpu.memory_space<vmem_shared>>
      tpu.wait_dma2 semaphore(%run_scoped3A : memref<!tpu.dma_semaphore, #tpu.memory_space<semaphore_mem>>) src(%dma_wait3A_145 : memref<80x128xf32, #tpu.memory_space<vmem_shared>>) dst(%dma_wait3A_143 : memref<80x128xf32, #tpu.memory_space<hbm>>)
      tpu.yield
    }) : () -> ()
    %mul3A_89 = arith.constant 640 : i32
    %mul3A_90 = arith.muli %arg1, %mul3A_89 : i32
    %add3A_91 = arith.constant 80 : i32
    %add3A_92 = arith.addi %mul3A_90, %add3A_91 : i32
    %mul3A_93 = arith.constant 10240 : i32
    %mul3A_94 = arith.muli %arg0, %mul3A_93 : i32
    %add3A_95 = arith.addi %mul3A_94, %add3A_92 : i32
    "tpu.region"() ({
      %run_scoped3A = tpu.sem_alloc : memref<!tpu.dma_semaphore, #tpu.memory_space<semaphore_mem>>
      %dma_start3A_138 = arith.constant 0 : i32
      %dma_start3A_139 = tpu.memref_slice %arg6[%add3A_95, %dma_start3A_138] : memref<20480x128xf32, #tpu.memory_space<hbm>> -> memref<80x128xf32, #tpu.memory_space<hbm>>
      %dma_start3A_140 = arith.constant 0 : i32
      %dma_start3A_141 = tpu.memref_slice %arg15[%add3A_92, %dma_start3A_140] : memref<10240x128xf32, #tpu.memory_space<vmem_shared>> -> memref<80x128xf32, #tpu.memory_space<vmem_shared>>
      tpu.enqueue_dma source(%dma_start3A_141 : memref<80x128xf32, #tpu.memory_space<vmem_shared>>) target(%dma_start3A_139 : memref<80x128xf32, #tpu.memory_space<hbm>>) target_semaphore(%run_scoped3A : memref<!tpu.dma_semaphore, #tpu.memory_space<semaphore_mem>>)
      %dma_wait3A_142 = arith.constant 0 : i32
      %dma_wait3A_143 = tpu.memref_slice %arg6[%add3A_95, %dma_wait3A_142] : memref<20480x128xf32, #tpu.memory_space<hbm>> -> memref<80x128xf32, #tpu.memory_space<hbm>>
      %dma_wait3A_144 = arith.constant 0 : i32
      %dma_wait3A_145 = tpu.memref_slice %arg15[%add3A_92, %dma_wait3A_144] : memref<10240x128xf32, #tpu.memory_space<vmem_shared>> -> memref<80x128xf32, #tpu.memory_space<vmem_shared>>
      tpu.wait_dma2 semaphore(%run_scoped3A : memref<!tpu.dma_semaphore, #tpu.memory_space<semaphore_mem>>) src(%dma_wait3A_145 : memref<80x128xf32, #tpu.memory_space<vmem_shared>>) dst(%dma_wait3A_143 : memref<80x128xf32, #tpu.memory_space<hbm>>)
      tpu.yield
    }) : () -> ()
    %mul3A_96 = arith.constant 640 : i32
    %mul3A_97 = arith.muli %arg1, %mul3A_96 : i32
    %add3A_98 = arith.constant 160 : i32
    %add3A_99 = arith.addi %mul3A_97, %add3A_98 : i32
    %mul3A_100 = arith.constant 10240 : i32
    %mul3A_101 = arith.muli %arg0, %mul3A_100 : i32
    %add3A_102 = arith.addi %mul3A_101, %add3A_99 : i32
    "tpu.region"() ({
      %run_scoped3A = tpu.sem_alloc : memref<!tpu.dma_semaphore, #tpu.memory_space<semaphore_mem>>
      %dma_start3A_138 = arith.constant 0 : i32
      %dma_start3A_139 = tpu.memref_slice %arg6[%add3A_102, %dma_start3A_138] : memref<20480x128xf32, #tpu.memory_space<hbm>> -> memref<80x128xf32, #tpu.memory_space<hbm>>
      %dma_start3A_140 = arith.constant 0 : i32
      %dma_start3A_141 = tpu.memref_slice %arg15[%add3A_99, %dma_start3A_140] : memref<10240x128xf32, #tpu.memory_space<vmem_shared>> -> memref<80x128xf32, #tpu.memory_space<vmem_shared>>
      tpu.enqueue_dma source(%dma_start3A_141 : memref<80x128xf32, #tpu.memory_space<vmem_shared>>) target(%dma_start3A_139 : memref<80x128xf32, #tpu.memory_space<hbm>>) target_semaphore(%run_scoped3A : memref<!tpu.dma_semaphore, #tpu.memory_space<semaphore_mem>>)
      %dma_wait3A_142 = arith.constant 0 : i32
      %dma_wait3A_143 = tpu.memref_slice %arg6[%add3A_102, %dma_wait3A_142] : memref<20480x128xf32, #tpu.memory_space<hbm>> -> memref<80x128xf32, #tpu.memory_space<hbm>>
      %dma_wait3A_144 = arith.constant 0 : i32
      %dma_wait3A_145 = tpu.memref_slice %arg15[%add3A_99, %dma_wait3A_144] : memref<10240x128xf32, #tpu.memory_space<vmem_shared>> -> memref<80x128xf32, #tpu.memory_space<vmem_shared>>
      tpu.wait_dma2 semaphore(%run_scoped3A : memref<!tpu.dma_semaphore, #tpu.memory_space<semaphore_mem>>) src(%dma_wait3A_145 : memref<80x128xf32, #tpu.memory_space<vmem_shared>>) dst(%dma_wait3A_143 : memref<80x128xf32, #tpu.memory_space<hbm>>)
      tpu.yield
    }) : () -> ()
    %mul3A_103 = arith.constant 640 : i32
    %mul3A_104 = arith.muli %arg1, %mul3A_103 : i32
    %add3A_105 = arith.constant 240 : i32
    %add3A_106 = arith.addi %mul3A_104, %add3A_105 : i32
    %mul3A_107 = arith.constant 10240 : i32
    %mul3A_108 = arith.muli %arg0, %mul3A_107 : i32
    %add3A_109 = arith.addi %mul3A_108, %add3A_106 : i32
    "tpu.region"() ({
      %run_scoped3A = tpu.sem_alloc : memref<!tpu.dma_semaphore, #tpu.memory_space<semaphore_mem>>
      %dma_start3A_138 = arith.constant 0 : i32
      %dma_start3A_139 = tpu.memref_slice %arg6[%add3A_109, %dma_start3A_138] : memref<20480x128xf32, #tpu.memory_space<hbm>> -> memref<80x128xf32, #tpu.memory_space<hbm>>
      %dma_start3A_140 = arith.constant 0 : i32
      %dma_start3A_141 = tpu.memref_slice %arg15[%add3A_106, %dma_start3A_140] : memref<10240x128xf32, #tpu.memory_space<vmem_shared>> -> memref<80x128xf32, #tpu.memory_space<vmem_shared>>
      tpu.enqueue_dma source(%dma_start3A_141 : memref<80x128xf32, #tpu.memory_space<vmem_shared>>) target(%dma_start3A_139 : memref<80x128xf32, #tpu.memory_space<hbm>>) target_semaphore(%run_scoped3A : memref<!tpu.dma_semaphore, #tpu.memory_space<semaphore_mem>>)
      %dma_wait3A_142 = arith.constant 0 : i32
      %dma_wait3A_143 = tpu.memref_slice %arg6[%add3A_109, %dma_wait3A_142] : memref<20480x128xf32, #tpu.memory_space<hbm>> -> memref<80x128xf32, #tpu.memory_space<hbm>>
      %dma_wait3A_144 = arith.constant 0 : i32
      %dma_wait3A_145 = tpu.memref_slice %arg15[%add3A_106, %dma_wait3A_144] : memref<10240x128xf32, #tpu.memory_space<vmem_shared>> -> memref<80x128xf32, #tpu.memory_space<vmem_shared>>
      tpu.wait_dma2 semaphore(%run_scoped3A : memref<!tpu.dma_semaphore, #tpu.memory_space<semaphore_mem>>) src(%dma_wait3A_145 : memref<80x128xf32, #tpu.memory_space<vmem_shared>>) dst(%dma_wait3A_143 : memref<80x128xf32, #tpu.memory_space<hbm>>)
      tpu.yield
    }) : () -> ()
    %mul3A_110 = arith.constant 640 : i32
    %mul3A_111 = arith.muli %arg1, %mul3A_110 : i32
    %add3A_112 = arith.constant 320 : i32
    %add3A_113 = arith.addi %mul3A_111, %add3A_112 : i32
    %mul3A_114 = arith.constant 10240 : i32
    %mul3A_115 = arith.muli %arg0, %mul3A_114 : i32
    %add3A_116 = arith.addi %mul3A_115, %add3A_113 : i32
    "tpu.region"() ({
      %run_scoped3A = tpu.sem_alloc : memref<!tpu.dma_semaphore, #tpu.memory_space<semaphore_mem>>
      %dma_start3A_138 = arith.constant 0 : i32
      %dma_start3A_139 = tpu.memref_slice %arg6[%add3A_116, %dma_start3A_138] : memref<20480x128xf32, #tpu.memory_space<hbm>> -> memref<80x128xf32, #tpu.memory_space<hbm>>
      %dma_start3A_140 = arith.constant 0 : i32
      %dma_start3A_141 = tpu.memref_slice %arg15[%add3A_113, %dma_start3A_140] : memref<10240x128xf32, #tpu.memory_space<vmem_shared>> -> memref<80x128xf32, #tpu.memory_space<vmem_shared>>
      tpu.enqueue_dma source(%dma_start3A_141 : memref<80x128xf32, #tpu.memory_space<vmem_shared>>) target(%dma_start3A_139 : memref<80x128xf32, #tpu.memory_space<hbm>>) target_semaphore(%run_scoped3A : memref<!tpu.dma_semaphore, #tpu.memory_space<semaphore_mem>>)
      %dma_wait3A_142 = arith.constant 0 : i32
      %dma_wait3A_143 = tpu.memref_slice %arg6[%add3A_116, %dma_wait3A_142] : memref<20480x128xf32, #tpu.memory_space<hbm>> -> memref<80x128xf32, #tpu.memory_space<hbm>>
      %dma_wait3A_144 = arith.constant 0 : i32
      %dma_wait3A_145 = tpu.memref_slice %arg15[%add3A_113, %dma_wait3A_144] : memref<10240x128xf32, #tpu.memory_space<vmem_shared>> -> memref<80x128xf32, #tpu.memory_space<vmem_shared>>
      tpu.wait_dma2 semaphore(%run_scoped3A : memref<!tpu.dma_semaphore, #tpu.memory_space<semaphore_mem>>) src(%dma_wait3A_145 : memref<80x128xf32, #tpu.memory_space<vmem_shared>>) dst(%dma_wait3A_143 : memref<80x128xf32, #tpu.memory_space<hbm>>)
      tpu.yield
    }) : () -> ()
    %mul3A_117 = arith.constant 640 : i32
    %mul3A_118 = arith.muli %arg1, %mul3A_117 : i32
    %add3A_119 = arith.constant 400 : i32
    %add3A_120 = arith.addi %mul3A_118, %add3A_119 : i32
    %mul3A_121 = arith.constant 10240 : i32
    %mul3A_122 = arith.muli %arg0, %mul3A_121 : i32
    %add3A_123 = arith.addi %mul3A_122, %add3A_120 : i32
    "tpu.region"() ({
      %run_scoped3A = tpu.sem_alloc : memref<!tpu.dma_semaphore, #tpu.memory_space<semaphore_mem>>
      %dma_start3A_138 = arith.constant 0 : i32
      %dma_start3A_139 = tpu.memref_slice %arg6[%add3A_123, %dma_start3A_138] : memref<20480x128xf32, #tpu.memory_space<hbm>> -> memref<80x128xf32, #tpu.memory_space<hbm>>
      %dma_start3A_140 = arith.constant 0 : i32
      %dma_start3A_141 = tpu.memref_slice %arg15[%add3A_120, %dma_start3A_140] : memref<10240x128xf32, #tpu.memory_space<vmem_shared>> -> memref<80x128xf32, #tpu.memory_space<vmem_shared>>
      tpu.enqueue_dma source(%dma_start3A_141 : memref<80x128xf32, #tpu.memory_space<vmem_shared>>) target(%dma_start3A_139 : memref<80x128xf32, #tpu.memory_space<hbm>>) target_semaphore(%run_scoped3A : memref<!tpu.dma_semaphore, #tpu.memory_space<semaphore_mem>>)
      %dma_wait3A_142 = arith.constant 0 : i32
      %dma_wait3A_143 = tpu.memref_slice %arg6[%add3A_123, %dma_wait3A_142] : memref<20480x128xf32, #tpu.memory_space<hbm>> -> memref<80x128xf32, #tpu.memory_space<hbm>>
      %dma_wait3A_144 = arith.constant 0 : i32
      %dma_wait3A_145 = tpu.memref_slice %arg15[%add3A_120, %dma_wait3A_144] : memref<10240x128xf32, #tpu.memory_space<vmem_shared>> -> memref<80x128xf32, #tpu.memory_space<vmem_shared>>
      tpu.wait_dma2 semaphore(%run_scoped3A : memref<!tpu.dma_semaphore, #tpu.memory_space<semaphore_mem>>) src(%dma_wait3A_145 : memref<80x128xf32, #tpu.memory_space<vmem_shared>>) dst(%dma_wait3A_143 : memref<80x128xf32, #tpu.memory_space<hbm>>)
      tpu.yield
    }) : () -> ()
    %mul3A_124 = arith.constant 640 : i32
    %mul3A_125 = arith.muli %arg1, %mul3A_124 : i32
    %add3A_126 = arith.constant 480 : i32
    %add3A_127 = arith.addi %mul3A_125, %add3A_126 : i32
    %mul3A_128 = arith.constant 10240 : i32
    %mul3A_129 = arith.muli %arg0, %mul3A_128 : i32
    %add3A_130 = arith.addi %mul3A_129, %add3A_127 : i32
    "tpu.region"() ({
      %run_scoped3A = tpu.sem_alloc : memref<!tpu.dma_semaphore, #tpu.memory_space<semaphore_mem>>
      %dma_start3A_138 = arith.constant 0 : i32
      %dma_start3A_139 = tpu.memref_slice %arg6[%add3A_130, %dma_start3A_138] : memref<20480x128xf32, #tpu.memory_space<hbm>> -> memref<80x128xf32, #tpu.memory_space<hbm>>
      %dma_start3A_140 = arith.constant 0 : i32
      %dma_start3A_141 = tpu.memref_slice %arg15[%add3A_127, %dma_start3A_140] : memref<10240x128xf32, #tpu.memory_space<vmem_shared>> -> memref<80x128xf32, #tpu.memory_space<vmem_shared>>
      tpu.enqueue_dma source(%dma_start3A_141 : memref<80x128xf32, #tpu.memory_space<vmem_shared>>) target(%dma_start3A_139 : memref<80x128xf32, #tpu.memory_space<hbm>>) target_semaphore(%run_scoped3A : memref<!tpu.dma_semaphore, #tpu.memory_space<semaphore_mem>>)
      %dma_wait3A_142 = arith.constant 0 : i32
      %dma_wait3A_143 = tpu.memref_slice %arg6[%add3A_130, %dma_wait3A_142] : memref<20480x128xf32, #tpu.memory_space<hbm>> -> memref<80x128xf32, #tpu.memory_space<hbm>>
      %dma_wait3A_144 = arith.constant 0 : i32
      %dma_wait3A_145 = tpu.memref_slice %arg15[%add3A_127, %dma_wait3A_144] : memref<10240x128xf32, #tpu.memory_space<vmem_shared>> -> memref<80x128xf32, #tpu.memory_space<vmem_shared>>
      tpu.wait_dma2 semaphore(%run_scoped3A : memref<!tpu.dma_semaphore, #tpu.memory_space<semaphore_mem>>) src(%dma_wait3A_145 : memref<80x128xf32, #tpu.memory_space<vmem_shared>>) dst(%dma_wait3A_143 : memref<80x128xf32, #tpu.memory_space<hbm>>)
      tpu.yield
    }) : () -> ()
    %mul3A_131 = arith.constant 640 : i32
    %mul3A_132 = arith.muli %arg1, %mul3A_131 : i32
    %add3A_133 = arith.constant 560 : i32
    %add3A_134 = arith.addi %mul3A_132, %add3A_133 : i32
    %mul3A_135 = arith.constant 10240 : i32
    %mul3A_136 = arith.muli %arg0, %mul3A_135 : i32
    %add3A_137 = arith.addi %mul3A_136, %add3A_134 : i32
    "tpu.region"() ({
      %run_scoped3A = tpu.sem_alloc : memref<!tpu.dma_semaphore, #tpu.memory_space<semaphore_mem>>
      %dma_start3A_138 = arith.constant 0 : i32
      %dma_start3A_139 = tpu.memref_slice %arg6[%add3A_137, %dma_start3A_138] : memref<20480x128xf32, #tpu.memory_space<hbm>> -> memref<80x128xf32, #tpu.memory_space<hbm>>
      %dma_start3A_140 = arith.constant 0 : i32
      %dma_start3A_141 = tpu.memref_slice %arg15[%add3A_134, %dma_start3A_140] : memref<10240x128xf32, #tpu.memory_space<vmem_shared>> -> memref<80x128xf32, #tpu.memory_space<vmem_shared>>
      tpu.enqueue_dma source(%dma_start3A_141 : memref<80x128xf32, #tpu.memory_space<vmem_shared>>) target(%dma_start3A_139 : memref<80x128xf32, #tpu.memory_space<hbm>>) target_semaphore(%run_scoped3A : memref<!tpu.dma_semaphore, #tpu.memory_space<semaphore_mem>>)
      %dma_wait3A_142 = arith.constant 0 : i32
      %dma_wait3A_143 = tpu.memref_slice %arg6[%add3A_137, %dma_wait3A_142] : memref<20480x128xf32, #tpu.memory_space<hbm>> -> memref<80x128xf32, #tpu.memory_space<hbm>>
      %dma_wait3A_144 = arith.constant 0 : i32
      %dma_wait3A_145 = tpu.memref_slice %arg15[%add3A_134, %dma_wait3A_144] : memref<10240x128xf32, #tpu.memory_space<vmem_shared>> -> memref<80x128xf32, #tpu.memory_space<vmem_shared>>
      tpu.wait_dma2 semaphore(%run_scoped3A : memref<!tpu.dma_semaphore, #tpu.memory_space<semaphore_mem>>) src(%dma_wait3A_145 : memref<80x128xf32, #tpu.memory_space<vmem_shared>>) dst(%dma_wait3A_143 : memref<80x128xf32, #tpu.memory_space<hbm>>)
      tpu.yield
    }) : () -> ()
    return
  }
}

#map = affine_map<(d0, d1) -> (0)>
module attributes {stable_mosaic.version = 14 : i64} {
  func.func @_sc_gather_conf_body(%arg0: i32, %arg1: i32, %arg2: memref<320000xi32, #tpu.memory_space<hbm>>, %arg3: memref<10000xf32, #tpu.memory_space<hbm>>, %arg4: memref<320000xf32, #tpu.memory_space<hbm>>, %arg5: memref<128xi32, #tpu.memory_space<vmem>>, %arg6: memref<128xi32, #tpu.memory_space<vmem>>, %arg7: memref<128xi32, #tpu.memory_space<vmem>>, %arg8: memref<128xi32, #tpu.memory_space<vmem>>, %arg9: memref<128xf32, #tpu.memory_space<vmem>>, %arg10: memref<128xf32, #tpu.memory_space<vmem>>, %arg11: memref<128xf32, #tpu.memory_space<vmem>>, %arg12: memref<128xf32, #tpu.memory_space<vmem>>, %arg13: memref<!tpu.dma_semaphore, #tpu.memory_space<semaphore_mem>>, %arg14: memref<!tpu.dma_semaphore, #tpu.memory_space<semaphore_mem>>, %arg15: memref<!tpu.dma_semaphore, #tpu.memory_space<semaphore_mem>>, %arg16: memref<!tpu.dma_semaphore, #tpu.memory_space<semaphore_mem>>) attributes {dimension_semantics = [#tpu.dimension_semantics<core_parallel>, #tpu.dimension_semantics<subcore_parallel>], iteration_bounds = array<i64: 2, 16>, scalar_prefetch = 0 : i64, scratch_operands = 12 : i64, tpu.core_type = #tpu.core_type<sc_vector_subcore>, window_params = [{transform_indices = #map}, {transform_indices = #map}, {transform_indices = #map}]} {
    %mul3A = arith.constant 2 : i32
    %mul3A_0 = arith.muli %arg1, %mul3A : i32
    %add3A = arith.addi %mul3A_0, %arg0 : i32
    %mul3A_1 = arith.constant 78 : i32
    %mul3A_2 = arith.muli %add3A, %mul3A_1 : i32
    %mul3A_3 = arith.constant 128 : i32
    %mul3A_4 = arith.muli %mul3A_2, %mul3A_3 : i32
    %add3A_5 = arith.constant 0 : i32
    %add3A_6 = arith.addi %mul3A_4, %add3A_5 : i32
    "tpu.region"() ({
      %run_scoped3A = tpu.sem_alloc : memref<!tpu.dma_semaphore, #tpu.memory_space<semaphore_mem>>
      %dma_start3A_30 = tpu.memref_slice %arg2[%add3A_6] : memref<320000xi32, #tpu.memory_space<hbm>> -> memref<128xi32, #tpu.memory_space<hbm>>
      %dma_start3A_31 = tpu.memref_slice %arg2[%add3A_6] : memref<320000xi32, #tpu.memory_space<hbm>> -> memref<128xi32, #tpu.memory_space<hbm>>
      tpu.enqueue_dma source(%dma_start3A_31 : memref<128xi32, #tpu.memory_space<hbm>>) target(%arg5 : memref<128xi32, #tpu.memory_space<vmem>>) target_semaphore(%run_scoped3A : memref<!tpu.dma_semaphore, #tpu.memory_space<semaphore_mem>>)
      %dma_wait3A_32 = tpu.memref_slice %arg2[%add3A_6] : memref<320000xi32, #tpu.memory_space<hbm>> -> memref<128xi32, #tpu.memory_space<hbm>>
      %dma_wait3A_33 = tpu.memref_slice %arg2[%add3A_6] : memref<320000xi32, #tpu.memory_space<hbm>> -> memref<128xi32, #tpu.memory_space<hbm>>
      tpu.wait_dma2 semaphore(%run_scoped3A : memref<!tpu.dma_semaphore, #tpu.memory_space<semaphore_mem>>) src(%dma_wait3A_33 : memref<128xi32, #tpu.memory_space<hbm>>) dst(%arg5 : memref<128xi32, #tpu.memory_space<vmem>>)
      tpu.yield
    }) : () -> ()
    %dma_start3A = arith.constant 0 : i32
    %dma_start3A_7 = tpu.memref_slice %arg3[%dma_start3A] : memref<10000xf32, #tpu.memory_space<hbm>> -> memref<10000xf32, #tpu.memory_space<hbm>>
    tpu.enqueue_indirect_dma source(%dma_start3A_7 : memref<10000xf32, #tpu.memory_space<hbm>>) target(%arg9 : memref<128xf32, #tpu.memory_space<vmem>>) offsets(%arg5 : memref<128xi32, #tpu.memory_space<vmem>>) semaphore(%arg13 : memref<!tpu.dma_semaphore, #tpu.memory_space<semaphore_mem>>)
    %add3A_8 = arith.constant 128 : i32
    %add3A_9 = arith.addi %mul3A_4, %add3A_8 : i32
    "tpu.region"() ({
      %run_scoped3A = tpu.sem_alloc : memref<!tpu.dma_semaphore, #tpu.memory_space<semaphore_mem>>
      %dma_start3A_30 = tpu.memref_slice %arg2[%add3A_9] : memref<320000xi32, #tpu.memory_space<hbm>> -> memref<128xi32, #tpu.memory_space<hbm>>
      %dma_start3A_31 = tpu.memref_slice %arg2[%add3A_9] : memref<320000xi32, #tpu.memory_space<hbm>> -> memref<128xi32, #tpu.memory_space<hbm>>
      tpu.enqueue_dma source(%dma_start3A_31 : memref<128xi32, #tpu.memory_space<hbm>>) target(%arg6 : memref<128xi32, #tpu.memory_space<vmem>>) target_semaphore(%run_scoped3A : memref<!tpu.dma_semaphore, #tpu.memory_space<semaphore_mem>>)
      %dma_wait3A_32 = tpu.memref_slice %arg2[%add3A_9] : memref<320000xi32, #tpu.memory_space<hbm>> -> memref<128xi32, #tpu.memory_space<hbm>>
      %dma_wait3A_33 = tpu.memref_slice %arg2[%add3A_9] : memref<320000xi32, #tpu.memory_space<hbm>> -> memref<128xi32, #tpu.memory_space<hbm>>
      tpu.wait_dma2 semaphore(%run_scoped3A : memref<!tpu.dma_semaphore, #tpu.memory_space<semaphore_mem>>) src(%dma_wait3A_33 : memref<128xi32, #tpu.memory_space<hbm>>) dst(%arg6 : memref<128xi32, #tpu.memory_space<vmem>>)
      tpu.yield
    }) : () -> ()
    %dma_start3A_10 = arith.constant 0 : i32
    %dma_start3A_11 = tpu.memref_slice %arg3[%dma_start3A_10] : memref<10000xf32, #tpu.memory_space<hbm>> -> memref<10000xf32, #tpu.memory_space<hbm>>
    tpu.enqueue_indirect_dma source(%dma_start3A_11 : memref<10000xf32, #tpu.memory_space<hbm>>) target(%arg10 : memref<128xf32, #tpu.memory_space<vmem>>) offsets(%arg6 : memref<128xi32, #tpu.memory_space<vmem>>) semaphore(%arg14 : memref<!tpu.dma_semaphore, #tpu.memory_space<semaphore_mem>>)
    %add3A_12 = arith.constant 256 : i32
    %add3A_13 = arith.addi %mul3A_4, %add3A_12 : i32
    "tpu.region"() ({
      %run_scoped3A = tpu.sem_alloc : memref<!tpu.dma_semaphore, #tpu.memory_space<semaphore_mem>>
      %dma_start3A_30 = tpu.memref_slice %arg2[%add3A_13] : memref<320000xi32, #tpu.memory_space<hbm>> -> memref<128xi32, #tpu.memory_space<hbm>>
      %dma_start3A_31 = tpu.memref_slice %arg2[%add3A_13] : memref<320000xi32, #tpu.memory_space<hbm>> -> memref<128xi32, #tpu.memory_space<hbm>>
      tpu.enqueue_dma source(%dma_start3A_31 : memref<128xi32, #tpu.memory_space<hbm>>) target(%arg7 : memref<128xi32, #tpu.memory_space<vmem>>) target_semaphore(%run_scoped3A : memref<!tpu.dma_semaphore, #tpu.memory_space<semaphore_mem>>)
      %dma_wait3A_32 = tpu.memref_slice %arg2[%add3A_13] : memref<320000xi32, #tpu.memory_space<hbm>> -> memref<128xi32, #tpu.memory_space<hbm>>
      %dma_wait3A_33 = tpu.memref_slice %arg2[%add3A_13] : memref<320000xi32, #tpu.memory_space<hbm>> -> memref<128xi32, #tpu.memory_space<hbm>>
      tpu.wait_dma2 semaphore(%run_scoped3A : memref<!tpu.dma_semaphore, #tpu.memory_space<semaphore_mem>>) src(%dma_wait3A_33 : memref<128xi32, #tpu.memory_space<hbm>>) dst(%arg7 : memref<128xi32, #tpu.memory_space<vmem>>)
      tpu.yield
    }) : () -> ()
    %dma_start3A_14 = arith.constant 0 : i32
    %dma_start3A_15 = tpu.memref_slice %arg3[%dma_start3A_14] : memref<10000xf32, #tpu.memory_space<hbm>> -> memref<10000xf32, #tpu.memory_space<hbm>>
    tpu.enqueue_indirect_dma source(%dma_start3A_15 : memref<10000xf32, #tpu.memory_space<hbm>>) target(%arg11 : memref<128xf32, #tpu.memory_space<vmem>>) offsets(%arg7 : memref<128xi32, #tpu.memory_space<vmem>>) semaphore(%arg15 : memref<!tpu.dma_semaphore, #tpu.memory_space<semaphore_mem>>)
    %scan3A = arith.constant 0 : i32
    %scan3A_16 = arith.constant 0 : i32
    %scan3A_17 = arith.constant 19 : i32
    %scan3A_18 = arith.addi %scan3A_16, %scan3A_17 : i32
    %scan3A_19 = arith.constant 1 : i32
    scf.for %scan3A_30 = %scan3A_16 to %scan3A_18 step %scan3A_19  : i32 {
      %mul3A_31 = arith.constant 4 : i32
      %mul3A_32 = arith.muli %mul3A_31, %scan3A_30 : i32
      %add3A_33 = arith.constant 0 : i32
      %add3A_34 = arith.addi %mul3A_32, %add3A_33 : i32
      %dma_wait3A_35 = arith.constant 0 : i32
      %dma_wait3A_36 = tpu.memref_slice %arg3[%dma_wait3A_35] : memref<10000xf32, #tpu.memory_space<hbm>> -> memref<10000xf32, #tpu.memory_space<hbm>>
      tpu.wait_indirect_dma semaphore(%arg13 : memref<!tpu.dma_semaphore, #tpu.memory_space<semaphore_mem>>) src(%dma_wait3A_36 : memref<10000xf32, #tpu.memory_space<hbm>>) dst(%arg9 : memref<128xf32, #tpu.memory_space<vmem>>)
      %mul3A_37 = arith.constant 128 : i32
      %mul3A_38 = arith.muli %add3A_34, %mul3A_37 : i32
      %add3A_39 = arith.addi %mul3A_4, %mul3A_38 : i32
      "tpu.region"() ({
        %run_scoped3A = tpu.sem_alloc : memref<!tpu.dma_semaphore, #tpu.memory_space<semaphore_mem>>
        %dma_start3A_95 = tpu.memref_slice %arg4[%add3A_39] : memref<320000xf32, #tpu.memory_space<hbm>> -> memref<128xf32, #tpu.memory_space<hbm>>
        %dma_start3A_96 = tpu.memref_slice %arg4[%add3A_39] : memref<320000xf32, #tpu.memory_space<hbm>> -> memref<128xf32, #tpu.memory_space<hbm>>
        tpu.enqueue_dma source(%arg9 : memref<128xf32, #tpu.memory_space<vmem>>) target(%dma_start3A_96 : memref<128xf32, #tpu.memory_space<hbm>>) target_semaphore(%run_scoped3A : memref<!tpu.dma_semaphore, #tpu.memory_space<semaphore_mem>>)
        %dma_wait3A_97 = tpu.memref_slice %arg4[%add3A_39] : memref<320000xf32, #tpu.memory_space<hbm>> -> memref<128xf32, #tpu.memory_space<hbm>>
        %dma_wait3A_98 = tpu.memref_slice %arg4[%add3A_39] : memref<320000xf32, #tpu.memory_space<hbm>> -> memref<128xf32, #tpu.memory_space<hbm>>
        tpu.wait_dma2 semaphore(%run_scoped3A : memref<!tpu.dma_semaphore, #tpu.memory_space<semaphore_mem>>) src(%arg9 : memref<128xf32, #tpu.memory_space<vmem>>) dst(%dma_wait3A_98 : memref<128xf32, #tpu.memory_space<hbm>>)
        tpu.yield
      }) : () -> ()
      %add3A_40 = arith.constant 3 : i32
      %add3A_41 = arith.addi %add3A_34, %add3A_40 : i32
      %lt3A_42 = arith.constant 78 : i32
      %lt3A_43 = arith.cmpi slt, %add3A_41, %lt3A_42 : i32
      %convert_element_type3A_44 = arith.extui %lt3A_43 : i1 to i32
      %cond3A_45 = arith.constant 0 : i32
      %cond3A_46 = arith.cmpi ne, %convert_element_type3A_44, %cond3A_45 : i32
      scf.if %cond3A_46 {
        %add3A_95 = arith.constant 3 : i32
        %add3A_96 = arith.addi %add3A_34, %add3A_95 : i32
        %mul3A_97 = arith.constant 128 : i32
        %mul3A_98 = arith.muli %add3A_96, %mul3A_97 : i32
        %add3A_99 = arith.addi %mul3A_4, %mul3A_98 : i32
        "tpu.region"() ({
          %run_scoped3A = tpu.sem_alloc : memref<!tpu.dma_semaphore, #tpu.memory_space<semaphore_mem>>
          %dma_start3A_102 = tpu.memref_slice %arg2[%add3A_99] : memref<320000xi32, #tpu.memory_space<hbm>> -> memref<128xi32, #tpu.memory_space<hbm>>
          %dma_start3A_103 = tpu.memref_slice %arg2[%add3A_99] : memref<320000xi32, #tpu.memory_space<hbm>> -> memref<128xi32, #tpu.memory_space<hbm>>
          tpu.enqueue_dma source(%dma_start3A_103 : memref<128xi32, #tpu.memory_space<hbm>>) target(%arg8 : memref<128xi32, #tpu.memory_space<vmem>>) target_semaphore(%run_scoped3A : memref<!tpu.dma_semaphore, #tpu.memory_space<semaphore_mem>>)
          %dma_wait3A_104 = tpu.memref_slice %arg2[%add3A_99] : memref<320000xi32, #tpu.memory_space<hbm>> -> memref<128xi32, #tpu.memory_space<hbm>>
          %dma_wait3A_105 = tpu.memref_slice %arg2[%add3A_99] : memref<320000xi32, #tpu.memory_space<hbm>> -> memref<128xi32, #tpu.memory_space<hbm>>
          tpu.wait_dma2 semaphore(%run_scoped3A : memref<!tpu.dma_semaphore, #tpu.memory_space<semaphore_mem>>) src(%dma_wait3A_105 : memref<128xi32, #tpu.memory_space<hbm>>) dst(%arg8 : memref<128xi32, #tpu.memory_space<vmem>>)
          tpu.yield
        }) : () -> ()
        %dma_start3A_100 = arith.constant 0 : i32
        %dma_start3A_101 = tpu.memref_slice %arg3[%dma_start3A_100] : memref<10000xf32, #tpu.memory_space<hbm>> -> memref<10000xf32, #tpu.memory_space<hbm>>
        tpu.enqueue_indirect_dma source(%dma_start3A_101 : memref<10000xf32, #tpu.memory_space<hbm>>) target(%arg12 : memref<128xf32, #tpu.memory_space<vmem>>) offsets(%arg8 : memref<128xi32, #tpu.memory_space<vmem>>) semaphore(%arg16 : memref<!tpu.dma_semaphore, #tpu.memory_space<semaphore_mem>>)
      } else {
      }
      %mul3A_47 = arith.constant 4 : i32
      %mul3A_48 = arith.muli %mul3A_47, %scan3A_30 : i32
      %add3A_49 = arith.constant 1 : i32
      %add3A_50 = arith.addi %mul3A_48, %add3A_49 : i32
      %dma_wait3A_51 = arith.constant 0 : i32
      %dma_wait3A_52 = tpu.memref_slice %arg3[%dma_wait3A_51] : memref<10000xf32, #tpu.memory_space<hbm>> -> memref<10000xf32, #tpu.memory_space<hbm>>
      tpu.wait_indirect_dma semaphore(%arg14 : memref<!tpu.dma_semaphore, #tpu.memory_space<semaphore_mem>>) src(%dma_wait3A_52 : memref<10000xf32, #tpu.memory_space<hbm>>) dst(%arg10 : memref<128xf32, #tpu.memory_space<vmem>>)
      %mul3A_53 = arith.constant 128 : i32
      %mul3A_54 = arith.muli %add3A_50, %mul3A_53 : i32
      %add3A_55 = arith.addi %mul3A_4, %mul3A_54 : i32
      "tpu.region"() ({
        %run_scoped3A = tpu.sem_alloc : memref<!tpu.dma_semaphore, #tpu.memory_space<semaphore_mem>>
        %dma_start3A_95 = tpu.memref_slice %arg4[%add3A_55] : memref<320000xf32, #tpu.memory_space<hbm>> -> memref<128xf32, #tpu.memory_space<hbm>>
        %dma_start3A_96 = tpu.memref_slice %arg4[%add3A_55] : memref<320000xf32, #tpu.memory_space<hbm>> -> memref<128xf32, #tpu.memory_space<hbm>>
        tpu.enqueue_dma source(%arg10 : memref<128xf32, #tpu.memory_space<vmem>>) target(%dma_start3A_96 : memref<128xf32, #tpu.memory_space<hbm>>) target_semaphore(%run_scoped3A : memref<!tpu.dma_semaphore, #tpu.memory_space<semaphore_mem>>)
        %dma_wait3A_97 = tpu.memref_slice %arg4[%add3A_55] : memref<320000xf32, #tpu.memory_space<hbm>> -> memref<128xf32, #tpu.memory_space<hbm>>
        %dma_wait3A_98 = tpu.memref_slice %arg4[%add3A_55] : memref<320000xf32, #tpu.memory_space<hbm>> -> memref<128xf32, #tpu.memory_space<hbm>>
        tpu.wait_dma2 semaphore(%run_scoped3A : memref<!tpu.dma_semaphore, #tpu.memory_space<semaphore_mem>>) src(%arg10 : memref<128xf32, #tpu.memory_space<vmem>>) dst(%dma_wait3A_98 : memref<128xf32, #tpu.memory_space<hbm>>)
        tpu.yield
      }) : () -> ()
      %add3A_56 = arith.constant 3 : i32
      %add3A_57 = arith.addi %add3A_50, %add3A_56 : i32
      %lt3A_58 = arith.constant 78 : i32
      %lt3A_59 = arith.cmpi slt, %add3A_57, %lt3A_58 : i32
      %convert_element_type3A_60 = arith.extui %lt3A_59 : i1 to i32
      %cond3A_61 = arith.constant 0 : i32
      %cond3A_62 = arith.cmpi ne, %convert_element_type3A_60, %cond3A_61 : i32
      scf.if %cond3A_62 {
        %add3A_95 = arith.constant 3 : i32
        %add3A_96 = arith.addi %add3A_50, %add3A_95 : i32
        %mul3A_97 = arith.constant 128 : i32
        %mul3A_98 = arith.muli %add3A_96, %mul3A_97 : i32
        %add3A_99 = arith.addi %mul3A_4, %mul3A_98 : i32
        "tpu.region"() ({
          %run_scoped3A = tpu.sem_alloc : memref<!tpu.dma_semaphore, #tpu.memory_space<semaphore_mem>>
          %dma_start3A_102 = tpu.memref_slice %arg2[%add3A_99] : memref<320000xi32, #tpu.memory_space<hbm>> -> memref<128xi32, #tpu.memory_space<hbm>>
          %dma_start3A_103 = tpu.memref_slice %arg2[%add3A_99] : memref<320000xi32, #tpu.memory_space<hbm>> -> memref<128xi32, #tpu.memory_space<hbm>>
          tpu.enqueue_dma source(%dma_start3A_103 : memref<128xi32, #tpu.memory_space<hbm>>) target(%arg5 : memref<128xi32, #tpu.memory_space<vmem>>) target_semaphore(%run_scoped3A : memref<!tpu.dma_semaphore, #tpu.memory_space<semaphore_mem>>)
          %dma_wait3A_104 = tpu.memref_slice %arg2[%add3A_99] : memref<320000xi32, #tpu.memory_space<hbm>> -> memref<128xi32, #tpu.memory_space<hbm>>
          %dma_wait3A_105 = tpu.memref_slice %arg2[%add3A_99] : memref<320000xi32, #tpu.memory_space<hbm>> -> memref<128xi32, #tpu.memory_space<hbm>>
          tpu.wait_dma2 semaphore(%run_scoped3A : memref<!tpu.dma_semaphore, #tpu.memory_space<semaphore_mem>>) src(%dma_wait3A_105 : memref<128xi32, #tpu.memory_space<hbm>>) dst(%arg5 : memref<128xi32, #tpu.memory_space<vmem>>)
          tpu.yield
        }) : () -> ()
        %dma_start3A_100 = arith.constant 0 : i32
        %dma_start3A_101 = tpu.memref_slice %arg3[%dma_start3A_100] : memref<10000xf32, #tpu.memory_space<hbm>> -> memref<10000xf32, #tpu.memory_space<hbm>>
        tpu.enqueue_indirect_dma source(%dma_start3A_101 : memref<10000xf32, #tpu.memory_space<hbm>>) target(%arg9 : memref<128xf32, #tpu.memory_space<vmem>>) offsets(%arg5 : memref<128xi32, #tpu.memory_space<vmem>>) semaphore(%arg13 : memref<!tpu.dma_semaphore, #tpu.memory_space<semaphore_mem>>)
      } else {
      }
      %mul3A_63 = arith.constant 4 : i32
      %mul3A_64 = arith.muli %mul3A_63, %scan3A_30 : i32
      %add3A_65 = arith.constant 2 : i32
      %add3A_66 = arith.addi %mul3A_64, %add3A_65 : i32
      %dma_wait3A_67 = arith.constant 0 : i32
      %dma_wait3A_68 = tpu.memref_slice %arg3[%dma_wait3A_67] : memref<10000xf32, #tpu.memory_space<hbm>> -> memref<10000xf32, #tpu.memory_space<hbm>>
      tpu.wait_indirect_dma semaphore(%arg15 : memref<!tpu.dma_semaphore, #tpu.memory_space<semaphore_mem>>) src(%dma_wait3A_68 : memref<10000xf32, #tpu.memory_space<hbm>>) dst(%arg11 : memref<128xf32, #tpu.memory_space<vmem>>)
      %mul3A_69 = arith.constant 128 : i32
      %mul3A_70 = arith.muli %add3A_66, %mul3A_69 : i32
      %add3A_71 = arith.addi %mul3A_4, %mul3A_70 : i32
      "tpu.region"() ({
        %run_scoped3A = tpu.sem_alloc : memref<!tpu.dma_semaphore, #tpu.memory_space<semaphore_mem>>
        %dma_start3A_95 = tpu.memref_slice %arg4[%add3A_71] : memref<320000xf32, #tpu.memory_space<hbm>> -> memref<128xf32, #tpu.memory_space<hbm>>
        %dma_start3A_96 = tpu.memref_slice %arg4[%add3A_71] : memref<320000xf32, #tpu.memory_space<hbm>> -> memref<128xf32, #tpu.memory_space<hbm>>
        tpu.enqueue_dma source(%arg11 : memref<128xf32, #tpu.memory_space<vmem>>) target(%dma_start3A_96 : memref<128xf32, #tpu.memory_space<hbm>>) target_semaphore(%run_scoped3A : memref<!tpu.dma_semaphore, #tpu.memory_space<semaphore_mem>>)
        %dma_wait3A_97 = tpu.memref_slice %arg4[%add3A_71] : memref<320000xf32, #tpu.memory_space<hbm>> -> memref<128xf32, #tpu.memory_space<hbm>>
        %dma_wait3A_98 = tpu.memref_slice %arg4[%add3A_71] : memref<320000xf32, #tpu.memory_space<hbm>> -> memref<128xf32, #tpu.memory_space<hbm>>
        tpu.wait_dma2 semaphore(%run_scoped3A : memref<!tpu.dma_semaphore, #tpu.memory_space<semaphore_mem>>) src(%arg11 : memref<128xf32, #tpu.memory_space<vmem>>) dst(%dma_wait3A_98 : memref<128xf32, #tpu.memory_space<hbm>>)
        tpu.yield
      }) : () -> ()
      %add3A_72 = arith.constant 3 : i32
      %add3A_73 = arith.addi %add3A_66, %add3A_72 : i32
      %lt3A_74 = arith.constant 78 : i32
      %lt3A_75 = arith.cmpi slt, %add3A_73, %lt3A_74 : i32
      %convert_element_type3A_76 = arith.extui %lt3A_75 : i1 to i32
      %cond3A_77 = arith.constant 0 : i32
      %cond3A_78 = arith.cmpi ne, %convert_element_type3A_76, %cond3A_77 : i32
      scf.if %cond3A_78 {
        %add3A_95 = arith.constant 3 : i32
        %add3A_96 = arith.addi %add3A_66, %add3A_95 : i32
        %mul3A_97 = arith.constant 128 : i32
        %mul3A_98 = arith.muli %add3A_96, %mul3A_97 : i32
        %add3A_99 = arith.addi %mul3A_4, %mul3A_98 : i32
        "tpu.region"() ({
          %run_scoped3A = tpu.sem_alloc : memref<!tpu.dma_semaphore, #tpu.memory_space<semaphore_mem>>
          %dma_start3A_102 = tpu.memref_slice %arg2[%add3A_99] : memref<320000xi32, #tpu.memory_space<hbm>> -> memref<128xi32, #tpu.memory_space<hbm>>
          %dma_start3A_103 = tpu.memref_slice %arg2[%add3A_99] : memref<320000xi32, #tpu.memory_space<hbm>> -> memref<128xi32, #tpu.memory_space<hbm>>
          tpu.enqueue_dma source(%dma_start3A_103 : memref<128xi32, #tpu.memory_space<hbm>>) target(%arg6 : memref<128xi32, #tpu.memory_space<vmem>>) target_semaphore(%run_scoped3A : memref<!tpu.dma_semaphore, #tpu.memory_space<semaphore_mem>>)
          %dma_wait3A_104 = tpu.memref_slice %arg2[%add3A_99] : memref<320000xi32, #tpu.memory_space<hbm>> -> memref<128xi32, #tpu.memory_space<hbm>>
          %dma_wait3A_105 = tpu.memref_slice %arg2[%add3A_99] : memref<320000xi32, #tpu.memory_space<hbm>> -> memref<128xi32, #tpu.memory_space<hbm>>
          tpu.wait_dma2 semaphore(%run_scoped3A : memref<!tpu.dma_semaphore, #tpu.memory_space<semaphore_mem>>) src(%dma_wait3A_105 : memref<128xi32, #tpu.memory_space<hbm>>) dst(%arg6 : memref<128xi32, #tpu.memory_space<vmem>>)
          tpu.yield
        }) : () -> ()
        %dma_start3A_100 = arith.constant 0 : i32
        %dma_start3A_101 = tpu.memref_slice %arg3[%dma_start3A_100] : memref<10000xf32, #tpu.memory_space<hbm>> -> memref<10000xf32, #tpu.memory_space<hbm>>
        tpu.enqueue_indirect_dma source(%dma_start3A_101 : memref<10000xf32, #tpu.memory_space<hbm>>) target(%arg10 : memref<128xf32, #tpu.memory_space<vmem>>) offsets(%arg6 : memref<128xi32, #tpu.memory_space<vmem>>) semaphore(%arg14 : memref<!tpu.dma_semaphore, #tpu.memory_space<semaphore_mem>>)
      } else {
      }
      %mul3A_79 = arith.constant 4 : i32
      %mul3A_80 = arith.muli %mul3A_79, %scan3A_30 : i32
      %add3A_81 = arith.constant 3 : i32
      %add3A_82 = arith.addi %mul3A_80, %add3A_81 : i32
      %dma_wait3A_83 = arith.constant 0 : i32
      %dma_wait3A_84 = tpu.memref_slice %arg3[%dma_wait3A_83] : memref<10000xf32, #tpu.memory_space<hbm>> -> memref<10000xf32, #tpu.memory_space<hbm>>
      tpu.wait_indirect_dma semaphore(%arg16 : memref<!tpu.dma_semaphore, #tpu.memory_space<semaphore_mem>>) src(%dma_wait3A_84 : memref<10000xf32, #tpu.memory_space<hbm>>) dst(%arg12 : memref<128xf32, #tpu.memory_space<vmem>>)
      %mul3A_85 = arith.constant 128 : i32
      %mul3A_86 = arith.muli %add3A_82, %mul3A_85 : i32
      %add3A_87 = arith.addi %mul3A_4, %mul3A_86 : i32
      "tpu.region"() ({
        %run_scoped3A = tpu.sem_alloc : memref<!tpu.dma_semaphore, #tpu.memory_space<semaphore_mem>>
        %dma_start3A_95 = tpu.memref_slice %arg4[%add3A_87] : memref<320000xf32, #tpu.memory_space<hbm>> -> memref<128xf32, #tpu.memory_space<hbm>>
        %dma_start3A_96 = tpu.memref_slice %arg4[%add3A_87] : memref<320000xf32, #tpu.memory_space<hbm>> -> memref<128xf32, #tpu.memory_space<hbm>>
        tpu.enqueue_dma source(%arg12 : memref<128xf32, #tpu.memory_space<vmem>>) target(%dma_start3A_96 : memref<128xf32, #tpu.memory_space<hbm>>) target_semaphore(%run_scoped3A : memref<!tpu.dma_semaphore, #tpu.memory_space<semaphore_mem>>)
        %dma_wait3A_97 = tpu.memref_slice %arg4[%add3A_87] : memref<320000xf32, #tpu.memory_space<hbm>> -> memref<128xf32, #tpu.memory_space<hbm>>
        %dma_wait3A_98 = tpu.memref_slice %arg4[%add3A_87] : memref<320000xf32, #tpu.memory_space<hbm>> -> memref<128xf32, #tpu.memory_space<hbm>>
        tpu.wait_dma2 semaphore(%run_scoped3A : memref<!tpu.dma_semaphore, #tpu.memory_space<semaphore_mem>>) src(%arg12 : memref<128xf32, #tpu.memory_space<vmem>>) dst(%dma_wait3A_98 : memref<128xf32, #tpu.memory_space<hbm>>)
        tpu.yield
      }) : () -> ()
      %add3A_88 = arith.constant 3 : i32
      %add3A_89 = arith.addi %add3A_82, %add3A_88 : i32
      %lt3A_90 = arith.constant 78 : i32
      %lt3A_91 = arith.cmpi slt, %add3A_89, %lt3A_90 : i32
      %convert_element_type3A_92 = arith.extui %lt3A_91 : i1 to i32
      %cond3A_93 = arith.constant 0 : i32
      %cond3A_94 = arith.cmpi ne, %convert_element_type3A_92, %cond3A_93 : i32
      scf.if %cond3A_94 {
        %add3A_95 = arith.constant 3 : i32
        %add3A_96 = arith.addi %add3A_82, %add3A_95 : i32
        %mul3A_97 = arith.constant 128 : i32
        %mul3A_98 = arith.muli %add3A_96, %mul3A_97 : i32
        %add3A_99 = arith.addi %mul3A_4, %mul3A_98 : i32
        "tpu.region"() ({
          %run_scoped3A = tpu.sem_alloc : memref<!tpu.dma_semaphore, #tpu.memory_space<semaphore_mem>>
          %dma_start3A_102 = tpu.memref_slice %arg2[%add3A_99] : memref<320000xi32, #tpu.memory_space<hbm>> -> memref<128xi32, #tpu.memory_space<hbm>>
          %dma_start3A_103 = tpu.memref_slice %arg2[%add3A_99] : memref<320000xi32, #tpu.memory_space<hbm>> -> memref<128xi32, #tpu.memory_space<hbm>>
          tpu.enqueue_dma source(%dma_start3A_103 : memref<128xi32, #tpu.memory_space<hbm>>) target(%arg7 : memref<128xi32, #tpu.memory_space<vmem>>) target_semaphore(%run_scoped3A : memref<!tpu.dma_semaphore, #tpu.memory_space<semaphore_mem>>)
          %dma_wait3A_104 = tpu.memref_slice %arg2[%add3A_99] : memref<320000xi32, #tpu.memory_space<hbm>> -> memref<128xi32, #tpu.memory_space<hbm>>
          %dma_wait3A_105 = tpu.memref_slice %arg2[%add3A_99] : memref<320000xi32, #tpu.memory_space<hbm>> -> memref<128xi32, #tpu.memory_space<hbm>>
          tpu.wait_dma2 semaphore(%run_scoped3A : memref<!tpu.dma_semaphore, #tpu.memory_space<semaphore_mem>>) src(%dma_wait3A_105 : memref<128xi32, #tpu.memory_space<hbm>>) dst(%arg7 : memref<128xi32, #tpu.memory_space<vmem>>)
          tpu.yield
        }) : () -> ()
        %dma_start3A_100 = arith.constant 0 : i32
        %dma_start3A_101 = tpu.memref_slice %arg3[%dma_start3A_100] : memref<10000xf32, #tpu.memory_space<hbm>> -> memref<10000xf32, #tpu.memory_space<hbm>>
        tpu.enqueue_indirect_dma source(%dma_start3A_101 : memref<10000xf32, #tpu.memory_space<hbm>>) target(%arg11 : memref<128xf32, #tpu.memory_space<vmem>>) offsets(%arg7 : memref<128xi32, #tpu.memory_space<vmem>>) semaphore(%arg15 : memref<!tpu.dma_semaphore, #tpu.memory_space<semaphore_mem>>)
      } else {
      }
    }
    %scan3A_20 = arith.constant 19 : i32
    %dma_wait3A = arith.constant 0 : i32
    %dma_wait3A_21 = tpu.memref_slice %arg3[%dma_wait3A] : memref<10000xf32, #tpu.memory_space<hbm>> -> memref<10000xf32, #tpu.memory_space<hbm>>
    tpu.wait_indirect_dma semaphore(%arg13 : memref<!tpu.dma_semaphore, #tpu.memory_space<semaphore_mem>>) src(%dma_wait3A_21 : memref<10000xf32, #tpu.memory_space<hbm>>) dst(%arg9 : memref<128xf32, #tpu.memory_space<vmem>>)
    %add3A_22 = arith.constant 9728 : i32
    %add3A_23 = arith.addi %mul3A_4, %add3A_22 : i32
    "tpu.region"() ({
      %run_scoped3A = tpu.sem_alloc : memref<!tpu.dma_semaphore, #tpu.memory_space<semaphore_mem>>
      %dma_start3A_30 = tpu.memref_slice %arg4[%add3A_23] : memref<320000xf32, #tpu.memory_space<hbm>> -> memref<128xf32, #tpu.memory_space<hbm>>
      %dma_start3A_31 = tpu.memref_slice %arg4[%add3A_23] : memref<320000xf32, #tpu.memory_space<hbm>> -> memref<128xf32, #tpu.memory_space<hbm>>
      tpu.enqueue_dma source(%arg9 : memref<128xf32, #tpu.memory_space<vmem>>) target(%dma_start3A_31 : memref<128xf32, #tpu.memory_space<hbm>>) target_semaphore(%run_scoped3A : memref<!tpu.dma_semaphore, #tpu.memory_space<semaphore_mem>>)
      %dma_wait3A_32 = tpu.memref_slice %arg4[%add3A_23] : memref<320000xf32, #tpu.memory_space<hbm>> -> memref<128xf32, #tpu.memory_space<hbm>>
      %dma_wait3A_33 = tpu.memref_slice %arg4[%add3A_23] : memref<320000xf32, #tpu.memory_space<hbm>> -> memref<128xf32, #tpu.memory_space<hbm>>
      tpu.wait_dma2 semaphore(%run_scoped3A : memref<!tpu.dma_semaphore, #tpu.memory_space<semaphore_mem>>) src(%arg9 : memref<128xf32, #tpu.memory_space<vmem>>) dst(%dma_wait3A_33 : memref<128xf32, #tpu.memory_space<hbm>>)
      tpu.yield
    }) : () -> ()
    %dma_wait3A_24 = arith.constant 0 : i32
    %dma_wait3A_25 = tpu.memref_slice %arg3[%dma_wait3A_24] : memref<10000xf32, #tpu.memory_space<hbm>> -> memref<10000xf32, #tpu.memory_space<hbm>>
    tpu.wait_indirect_dma semaphore(%arg14 : memref<!tpu.dma_semaphore, #tpu.memory_space<semaphore_mem>>) src(%dma_wait3A_25 : memref<10000xf32, #tpu.memory_space<hbm>>) dst(%arg10 : memref<128xf32, #tpu.memory_space<vmem>>)
    %add3A_26 = arith.constant 9856 : i32
    %add3A_27 = arith.addi %mul3A_4, %add3A_26 : i32
    "tpu.region"() ({
      %run_scoped3A = tpu.sem_alloc : memref<!tpu.dma_semaphore, #tpu.memory_space<semaphore_mem>>
      %dma_start3A_30 = tpu.memref_slice %arg4[%add3A_27] : memref<320000xf32, #tpu.memory_space<hbm>> -> memref<128xf32, #tpu.memory_space<hbm>>
      %dma_start3A_31 = tpu.memref_slice %arg4[%add3A_27] : memref<320000xf32, #tpu.memory_space<hbm>> -> memref<128xf32, #tpu.memory_space<hbm>>
      tpu.enqueue_dma source(%arg10 : memref<128xf32, #tpu.memory_space<vmem>>) target(%dma_start3A_31 : memref<128xf32, #tpu.memory_space<hbm>>) target_semaphore(%run_scoped3A : memref<!tpu.dma_semaphore, #tpu.memory_space<semaphore_mem>>)
      %dma_wait3A_32 = tpu.memref_slice %arg4[%add3A_27] : memref<320000xf32, #tpu.memory_space<hbm>> -> memref<128xf32, #tpu.memory_space<hbm>>
      %dma_wait3A_33 = tpu.memref_slice %arg4[%add3A_27] : memref<320000xf32, #tpu.memory_space<hbm>> -> memref<128xf32, #tpu.memory_space<hbm>>
      tpu.wait_dma2 semaphore(%run_scoped3A : memref<!tpu.dma_semaphore, #tpu.memory_space<semaphore_mem>>) src(%arg10 : memref<128xf32, #tpu.memory_space<vmem>>) dst(%dma_wait3A_33 : memref<128xf32, #tpu.memory_space<hbm>>)
      tpu.yield
    }) : () -> ()
    %lt3A = arith.constant 4 : i32
    %lt3A_28 = arith.cmpi slt, %add3A, %lt3A : i32
    %convert_element_type3A = arith.extui %lt3A_28 : i1 to i32
    %cond3A = arith.constant 0 : i32
    %cond3A_29 = arith.cmpi ne, %convert_element_type3A, %cond3A : i32
    scf.if %cond3A_29 {
      %add3A_30 = arith.constant 2496 : i32
      %add3A_31 = arith.addi %add3A_30, %add3A : i32
      %mul3A_32 = arith.constant 128 : i32
      %mul3A_33 = arith.muli %add3A_31, %mul3A_32 : i32
      "tpu.region"() ({
        %run_scoped3A = tpu.sem_alloc : memref<!tpu.dma_semaphore, #tpu.memory_space<semaphore_mem>>
        %dma_start3A_34 = tpu.memref_slice %arg2[%mul3A_33] : memref<320000xi32, #tpu.memory_space<hbm>> -> memref<128xi32, #tpu.memory_space<hbm>>
        %dma_start3A_35 = tpu.memref_slice %arg2[%mul3A_33] : memref<320000xi32, #tpu.memory_space<hbm>> -> memref<128xi32, #tpu.memory_space<hbm>>
        tpu.enqueue_dma source(%dma_start3A_35 : memref<128xi32, #tpu.memory_space<hbm>>) target(%arg5 : memref<128xi32, #tpu.memory_space<vmem>>) target_semaphore(%run_scoped3A : memref<!tpu.dma_semaphore, #tpu.memory_space<semaphore_mem>>)
        %dma_wait3A_36 = tpu.memref_slice %arg2[%mul3A_33] : memref<320000xi32, #tpu.memory_space<hbm>> -> memref<128xi32, #tpu.memory_space<hbm>>
        %dma_wait3A_37 = tpu.memref_slice %arg2[%mul3A_33] : memref<320000xi32, #tpu.memory_space<hbm>> -> memref<128xi32, #tpu.memory_space<hbm>>
        tpu.wait_dma2 semaphore(%run_scoped3A : memref<!tpu.dma_semaphore, #tpu.memory_space<semaphore_mem>>) src(%dma_wait3A_37 : memref<128xi32, #tpu.memory_space<hbm>>) dst(%arg5 : memref<128xi32, #tpu.memory_space<vmem>>)
        tpu.yield
      }) : () -> ()
      "tpu.region"() ({
        %run_scoped3A = tpu.sem_alloc : memref<!tpu.dma_semaphore, #tpu.memory_space<semaphore_mem>>
        %dma_start3A_34 = arith.constant 0 : i32
        %dma_start3A_35 = tpu.memref_slice %arg3[%dma_start3A_34] : memref<10000xf32, #tpu.memory_space<hbm>> -> memref<10000xf32, #tpu.memory_space<hbm>>
        tpu.enqueue_indirect_dma source(%dma_start3A_35 : memref<10000xf32, #tpu.memory_space<hbm>>) target(%arg9 : memref<128xf32, #tpu.memory_space<vmem>>) offsets(%arg5 : memref<128xi32, #tpu.memory_space<vmem>>) semaphore(%run_scoped3A : memref<!tpu.dma_semaphore, #tpu.memory_space<semaphore_mem>>)
        %dma_wait3A_36 = arith.constant 0 : i32
        %dma_wait3A_37 = tpu.memref_slice %arg3[%dma_wait3A_36] : memref<10000xf32, #tpu.memory_space<hbm>> -> memref<10000xf32, #tpu.memory_space<hbm>>
        tpu.wait_indirect_dma semaphore(%run_scoped3A : memref<!tpu.dma_semaphore, #tpu.memory_space<semaphore_mem>>) src(%dma_wait3A_37 : memref<10000xf32, #tpu.memory_space<hbm>>) dst(%arg9 : memref<128xf32, #tpu.memory_space<vmem>>)
        tpu.yield
      }) : () -> ()
      "tpu.region"() ({
        %run_scoped3A = tpu.sem_alloc : memref<!tpu.dma_semaphore, #tpu.memory_space<semaphore_mem>>
        %dma_start3A_34 = tpu.memref_slice %arg4[%mul3A_33] : memref<320000xf32, #tpu.memory_space<hbm>> -> memref<128xf32, #tpu.memory_space<hbm>>
        %dma_start3A_35 = tpu.memref_slice %arg4[%mul3A_33] : memref<320000xf32, #tpu.memory_space<hbm>> -> memref<128xf32, #tpu.memory_space<hbm>>
        tpu.enqueue_dma source(%arg9 : memref<128xf32, #tpu.memory_space<vmem>>) target(%dma_start3A_35 : memref<128xf32, #tpu.memory_space<hbm>>) target_semaphore(%run_scoped3A : memref<!tpu.dma_semaphore, #tpu.memory_space<semaphore_mem>>)
        %dma_wait3A_36 = tpu.memref_slice %arg4[%mul3A_33] : memref<320000xf32, #tpu.memory_space<hbm>> -> memref<128xf32, #tpu.memory_space<hbm>>
        %dma_wait3A_37 = tpu.memref_slice %arg4[%mul3A_33] : memref<320000xf32, #tpu.memory_space<hbm>> -> memref<128xf32, #tpu.memory_space<hbm>>
        tpu.wait_dma2 semaphore(%run_scoped3A : memref<!tpu.dma_semaphore, #tpu.memory_space<semaphore_mem>>) src(%arg9 : memref<128xf32, #tpu.memory_space<vmem>>) dst(%dma_wait3A_37 : memref<128xf32, #tpu.memory_space<hbm>>)
        tpu.yield
      }) : () -> ()
    } else {
    }
    return
  }
}

module attributes {stable_mosaic.version = 14 : i64} {
  func.func @_tc_edge_node_mlp(%arg0: i32, %arg1: memref<16x2560xf32, #tpu.memory_space<vmem>>, %arg2: memref<1x2560xi32, #tpu.memory_space<vmem>>, %arg3: memref<1x2560xf32, #tpu.memory_space<vmem>>, %arg4: memref<2000x128xf32, #tpu.memory_space<vmem>>, %arg5: memref<2000x1xf32, #tpu.memory_space<vmem>>, %arg6: memref<32x16xf32, #tpu.memory_space<vmem>>, %arg7: memref<32x128xf32, #tpu.memory_space<vmem>>, %arg8: memref<1x128xf32, #tpu.memory_space<vmem>>, %arg9: memref<128x128xf32, #tpu.memory_space<vmem>>, %arg10: memref<1x128xf32, #tpu.memory_space<vmem>>, %arg11: memref<128x128xf32, #tpu.memory_space<vmem>>, %arg12: memref<1x128xf32, #tpu.memory_space<vmem>>, %arg13: memref<2560x128xf32, #tpu.memory_space<vmem>>, %arg14: memref<2000x128xf32, #tpu.memory_space<vmem>>) attributes {dimension_semantics = [#tpu.dimension_semantics<arbitrary>], iteration_bounds = array<i64: 125>, scalar_prefetch = 0 : i64, scratch_operands = 0 : i64, tpu.core_type = #tpu.core_type<tc>, window_params = [{transform_indices = @transform_0, window_bounds = array<i64: 16, 2560>}, {transform_indices = @transform_1, window_bounds = array<i64: 1, 2560>}, {transform_indices = @transform_2, window_bounds = array<i64: 1, 2560>}, {transform_indices = @transform_3, window_bounds = array<i64: 2000, 128>}, {transform_indices = @transform_4, window_bounds = array<i64: 2000, 1>}, {pipeline_mode = #tpu.pipeline_mode<synchronous>, transform_indices = @transform_5, window_bounds = array<i64: 32, 16>}, {pipeline_mode = #tpu.pipeline_mode<synchronous>, transform_indices = @transform_6, window_bounds = array<i64: 32, 128>}, {pipeline_mode = #tpu.pipeline_mode<synchronous>, transform_indices = @transform_7, window_bounds = array<i64: 1, 128>}, {pipeline_mode = #tpu.pipeline_mode<synchronous>, transform_indices = @transform_8, window_bounds = array<i64: 128, 128>}, {pipeline_mode = #tpu.pipeline_mode<synchronous>, transform_indices = @transform_9, window_bounds = array<i64: 1, 128>}, {pipeline_mode = #tpu.pipeline_mode<synchronous>, transform_indices = @transform_10, window_bounds = array<i64: 128, 128>}, {pipeline_mode = #tpu.pipeline_mode<synchronous>, transform_indices = @transform_11, window_bounds = array<i64: 1, 128>}, {transform_indices = @transform_12, window_bounds = array<i64: 2560, 128>}, {transform_indices = @transform_13, window_bounds = array<i64: 2000, 128>}]} {
    %get3A = arith.constant 0 : index
    %get3A_0 = arith.constant 0 : index
    %get3A_1 = vector.load %arg7[%get3A, %get3A_0] : memref<32x128xf32, #tpu.memory_space<vmem>>, vector<16x128xf32>
    %get3A_2 = arith.constant 16 : index
    %get3A_3 = arith.constant 0 : index
    %get3A_4 = vector.load %arg7[%get3A_2, %get3A_3] : memref<32x128xf32, #tpu.memory_space<vmem>>, vector<16x128xf32>
    %get3A_5 = arith.constant 0 : index
    %get3A_6 = arith.constant 0 : index
    %get3A_7 = vector.load %arg6[%get3A_5, %get3A_6] : memref<32x16xf32, #tpu.memory_space<vmem>>, vector<32x16xf32>
    %dot_general3A = arith.constant dense<0.000000e+00> : vector<32x128xf32>
    %dot_general3A_8 = tpu.matmul %get3A_7, %get3A_4, %dot_general3A {dimension_numbers = #tpu.dot_dimension_numbers<[1], [0], [0], [1], [0, 0, 1, 1], [], []>, transpose_lhs_hint = false} : vector<32x16xf32>, vector<16x128xf32>, vector<32x128xf32> -> vector<32x128xf32>
    %get3A_9 = arith.constant 0 : index
    %get3A_10 = arith.constant 0 : index
    %get3A_11 = vector.load %arg2[%get3A_9, %get3A_10] : memref<1x2560xi32, #tpu.memory_space<vmem>>, vector<1x2560xi32>
    %iota3A = tpu.iota {dimensions = array<i32: 0>} : vector<32x1xi32>
    %eq3A = vector.broadcast %get3A_11 : vector<1x2560xi32> to vector<32x2560xi32>
    %eq3A_12 = vector.broadcast %iota3A : vector<32x1xi32> to vector<32x2560xi32>
    %eq3A_13 = arith.cmpi eq, %eq3A, %eq3A_12 : vector<32x2560xi32>
    %get3A_14 = arith.constant 0 : index
    %get3A_15 = arith.constant 0 : index
    %get3A_16 = vector.load %arg1[%get3A_14, %get3A_15] : memref<16x2560xf32, #tpu.memory_space<vmem>>, vector<16x2560xf32>
    %dot_general3A_17 = arith.constant dense<0.000000e+00> : vector<2560x128xf32>
    %dot_general3A_18 = tpu.matmul %get3A_16, %get3A_1, %dot_general3A_17 {dimension_numbers = #tpu.dot_dimension_numbers<[0], [0], [1], [1], [0, 1, 1, 1], [], []>, transpose_lhs_hint = false} : vector<16x2560xf32>, vector<16x128xf32>, vector<2560x128xf32> -> vector<2560x128xf32>
    %convert_element_type3A = arith.extui %eq3A_13 : vector<32x2560xi1> to vector<32x2560xi32>
    %convert_element_type3A_19 = arith.sitofp %convert_element_type3A : vector<32x2560xi32> to vector<32x2560xf32>
    %dot_general3A_20 = arith.constant dense<0.000000e+00> : vector<2560x128xf32>
    %dot_general3A_21 = tpu.matmul %convert_element_type3A_19, %dot_general3A_8, %dot_general3A_20 {dimension_numbers = #tpu.dot_dimension_numbers<[0], [0], [1], [1], [0, 1, 1, 1], [], []>, transpose_lhs_hint = false} : vector<32x2560xf32>, vector<32x128xf32>, vector<2560x128xf32> -> vector<2560x128xf32>
    %add3A = arith.addf %dot_general3A_18, %dot_general3A_21 : vector<2560x128xf32>
    %get3A_22 = arith.constant 0 : index
    %get3A_23 = arith.constant 0 : index
    %get3A_24 = vector.load %arg8[%get3A_22, %get3A_23] : memref<1x128xf32, #tpu.memory_space<vmem>>, vector<1x128xf32>
    %add3A_25 = vector.broadcast %get3A_24 : vector<1x128xf32> to vector<2560x128xf32>
    %add3A_26 = arith.addf %add3A, %add3A_25 : vector<2560x128xf32>
    %max3A = arith.constant 0.000000e+00 : f32
    %max3A_27 = vector.broadcast %max3A : f32 to vector<2560x128xf32>
    %max3A_28 = arith.maximumf %add3A_26, %max3A_27 : vector<2560x128xf32>
    %get3A_29 = arith.constant 0 : index
    %get3A_30 = arith.constant 0 : index
    %get3A_31 = vector.load %arg9[%get3A_29, %get3A_30] : memref<128x128xf32, #tpu.memory_space<vmem>>, vector<128x128xf32>
    %dot_general3A_32 = arith.constant dense<0.000000e+00> : vector<2560x128xf32>
    %dot_general3A_33 = tpu.matmul %max3A_28, %get3A_31, %dot_general3A_32 {dimension_numbers = #tpu.dot_dimension_numbers<[1], [0], [0], [1], [0, 0, 1, 1], [], []>, transpose_lhs_hint = false} : vector<2560x128xf32>, vector<128x128xf32>, vector<2560x128xf32> -> vector<2560x128xf32>
    %get3A_34 = arith.constant 0 : index
    %get3A_35 = arith.constant 0 : index
    %get3A_36 = vector.load %arg10[%get3A_34, %get3A_35] : memref<1x128xf32, #tpu.memory_space<vmem>>, vector<1x128xf32>
    %add3A_37 = vector.broadcast %get3A_36 : vector<1x128xf32> to vector<2560x128xf32>
    %add3A_38 = arith.addf %dot_general3A_33, %add3A_37 : vector<2560x128xf32>
    %get3A_39 = arith.constant 0 : index
    %get3A_40 = arith.constant 0 : index
    %get3A_41 = vector.load %arg3[%get3A_39, %get3A_40] : memref<1x2560xf32, #tpu.memory_space<vmem>>, vector<1x2560xf32>
    %broadcast_in_dim3A = arith.constant 1.000000e+00 : f32
    %broadcast_in_dim3A_42 = vector.broadcast %broadcast_in_dim3A : f32 to vector<1x1xf32>
    %dot_general3A_43 = arith.constant dense<0.000000e+00> : vector<2560x1xf32>
    %dot_general3A_44 = tpu.matmul %get3A_41, %broadcast_in_dim3A_42, %dot_general3A_43 {dimension_numbers = #tpu.dot_dimension_numbers<[0], [0], [1], [1], [0, 1, 1, 1], [], []>, transpose_lhs_hint = false} : vector<1x2560xf32>, vector<1x1xf32>, vector<2560x1xf32> -> vector<2560x1xf32>
    %mul3A = vector.broadcast %dot_general3A_44 : vector<2560x1xf32> to vector<2560x128xf32>
    %mul3A_45 = arith.mulf %add3A_38, %mul3A : vector<2560x128xf32>
    %swap3A = arith.constant 0 : index
    %swap3A_46 = arith.constant 0 : index
    %swap3A_47 = vector.load %arg13[%swap3A, %swap3A_46] : memref<2560x128xf32, #tpu.memory_space<vmem>>, vector<2560x128xf32>
    tpu.vector_store %arg13[%swap3A, %swap3A_46], %mul3A_45 {strides = array<i32>} : memref<2560x128xf32, #tpu.memory_space<vmem>>, vector<2560x128xf32>,
    %lt3A = arith.constant 5 : i32
    %lt3A_48 = arith.cmpi slt, %arg0, %lt3A : i32
    %convert_element_type3A_49 = arith.extui %lt3A_48 : i1 to i32
    %cond3A = arith.constant 0 : i32
    %cond3A_50 = arith.cmpi ne, %convert_element_type3A_49, %cond3A : i32
    scf.if %cond3A_50 {
      %get3A_51 = arith.constant 0 : index
      %get3A_52 = arith.constant 0 : index
      %get3A_53 = vector.load %arg4[%get3A_51, %get3A_52] : memref<2000x128xf32, #tpu.memory_space<vmem>>, vector<2000x128xf32>
      %get3A_54 = arith.constant 0 : index
      %get3A_55 = arith.constant 0 : index
      %get3A_56 = vector.load %arg11[%get3A_54, %get3A_55] : memref<128x128xf32, #tpu.memory_space<vmem>>, vector<128x128xf32>
      %dot_general3A_57 = arith.constant dense<0.000000e+00> : vector<2000x128xf32>
      %dot_general3A_58 = tpu.matmul %get3A_53, %get3A_56, %dot_general3A_57 {dimension_numbers = #tpu.dot_dimension_numbers<[1], [0], [0], [1], [0, 0, 1, 1], [], []>, transpose_lhs_hint = false} : vector<2000x128xf32>, vector<128x128xf32>, vector<2000x128xf32> -> vector<2000x128xf32>
      %get3A_59 = arith.constant 0 : index
      %get3A_60 = arith.constant 0 : index
      %get3A_61 = vector.load %arg12[%get3A_59, %get3A_60] : memref<1x128xf32, #tpu.memory_space<vmem>>, vector<1x128xf32>
      %add3A_62 = vector.broadcast %get3A_61 : vector<1x128xf32> to vector<2000x128xf32>
      %add3A_63 = arith.addf %dot_general3A_58, %add3A_62 : vector<2000x128xf32>
      %max3A_64 = arith.constant 0.000000e+00 : f32
      %max3A_65 = vector.broadcast %max3A_64 : f32 to vector<2000x128xf32>
      %max3A_66 = arith.maximumf %add3A_63, %max3A_65 : vector<2000x128xf32>
      %get3A_67 = arith.constant 0 : index
      %get3A_68 = arith.constant 0 : index
      %get3A_69 = vector.load %arg5[%get3A_67, %get3A_68] : memref<2000x1xf32, #tpu.memory_space<vmem>>, vector<2000x1xf32>
      %mul3A_70 = vector.broadcast %get3A_69 : vector<2000x1xf32> to vector<2000x128xf32>
      %mul3A_71 = arith.mulf %max3A_66, %mul3A_70 : vector<2000x128xf32>
      %swap3A_72 = arith.constant 0 : index
      %swap3A_73 = arith.constant 0 : index
      %swap3A_74 = vector.load %arg14[%swap3A_72, %swap3A_73] : memref<2000x128xf32, #tpu.memory_space<vmem>>, vector<2000x128xf32>
      tpu.vector_store %arg14[%swap3A_72, %swap3A_73], %mul3A_71 {strides = array<i32>} : memref<2000x128xf32, #tpu.memory_space<vmem>>, vector<2000x128xf32>,
    } else {
    }
    return
  }
  func.func @transform_0(%arg0: i32) -> (i32, i32) {
    %c0_i32 = arith.constant 0 : i32
    %c0_i32_0 = arith.constant 0 : i32
    return %c0_i32, %arg0 : i32, i32
  }
  func.func @transform_1(%arg0: i32) -> (i32, i32) {
    %c0_i32 = arith.constant 0 : i32
    %c0_i32_0 = arith.constant 0 : i32
    return %c0_i32, %arg0 : i32, i32
  }
  func.func @transform_2(%arg0: i32) -> (i32, i32) {
    %c0_i32 = arith.constant 0 : i32
    %c0_i32_0 = arith.constant 0 : i32
    return %c0_i32, %arg0 : i32, i32
  }
  func.func @transform_3(%arg0: i32) -> (i32, i32) {
    %min3A = arith.constant 4 : i32
    %min3A_0 = arith.minsi %arg0, %min3A : i32
    %c0_i32 = arith.constant 0 : i32
    %c0_i32_1 = arith.constant 0 : i32
    return %min3A_0, %c0_i32 : i32, i32
  }
  func.func @transform_4(%arg0: i32) -> (i32, i32) {
    %min3A = arith.constant 4 : i32
    %min3A_0 = arith.minsi %arg0, %min3A : i32
    %c0_i32 = arith.constant 0 : i32
    %c0_i32_1 = arith.constant 0 : i32
    return %min3A_0, %c0_i32 : i32, i32
  }
  func.func @transform_5(%arg0: i32) -> (i32, i32) {
    %c0_i32 = arith.constant 0 : i32
    %c0_i32_0 = arith.constant 0 : i32
    %c0_i32_1 = arith.constant 0 : i32
    return %c0_i32, %c0_i32_0 : i32, i32
  }
  func.func @transform_6(%arg0: i32) -> (i32, i32) {
    %c0_i32 = arith.constant 0 : i32
    %c0_i32_0 = arith.constant 0 : i32
    %c0_i32_1 = arith.constant 0 : i32
    return %c0_i32, %c0_i32_0 : i32, i32
  }
  func.func @transform_7(%arg0: i32) -> (i32, i32) {
    %c0_i32 = arith.constant 0 : i32
    %c0_i32_0 = arith.constant 0 : i32
    %c0_i32_1 = arith.constant 0 : i32
    return %c0_i32, %c0_i32_0 : i32, i32
  }
  func.func @transform_8(%arg0: i32) -> (i32, i32) {
    %c0_i32 = arith.constant 0 : i32
    %c0_i32_0 = arith.constant 0 : i32
    %c0_i32_1 = arith.constant 0 : i32
    return %c0_i32, %c0_i32_0 : i32, i32
  }
  func.func @transform_9(%arg0: i32) -> (i32, i32) {
    %c0_i32 = arith.constant 0 : i32
    %c0_i32_0 = arith.constant 0 : i32
    %c0_i32_1 = arith.constant 0 : i32
    return %c0_i32, %c0_i32_0 : i32, i32
  }
  func.func @transform_10(%arg0: i32) -> (i32, i32) {
    %c0_i32 = arith.constant 0 : i32
    %c0_i32_0 = arith.constant 0 : i32
    %c0_i32_1 = arith.constant 0 : i32
    return %c0_i32, %c0_i32_0 : i32, i32
  }
  func.func @transform_11(%arg0: i32) -> (i32, i32) {
    %c0_i32 = arith.constant 0 : i32
    %c0_i32_0 = arith.constant 0 : i32
    %c0_i32_1 = arith.constant 0 : i32
    return %c0_i32, %c0_i32_0 : i32, i32
  }
  func.func @transform_12(%arg0: i32) -> (i32, i32) {
    %c0_i32 = arith.constant 0 : i32
    %c0_i32_0 = arith.constant 0 : i32
    return %arg0, %c0_i32 : i32, i32
  }
  func.func @transform_13(%arg0: i32) -> (i32, i32) {
    %min3A = arith.constant 4 : i32
    %min3A_0 = arith.minsi %arg0, %min3A : i32
    %c0_i32 = arith.constant 0 : i32
    %c0_i32_1 = arith.constant 0 : i32
    return %min3A_0, %c0_i32 : i32, i32
  }
}

module attributes {stable_mosaic.version = 14 : i64} {
  func.func @_tc_fuse(%arg0: i32, %arg1: memref<2000x128xf32, #tpu.memory_space<vmem>>, %arg2: memref<2000x128xf32, #tpu.memory_space<vmem>>, %arg3: memref<2000x128xf32, #tpu.memory_space<vmem>>, %arg4: memref<128x128xf32, #tpu.memory_space<vmem>>, %arg5: memref<128x128xf32, #tpu.memory_space<vmem>>, %arg6: memref<1x128xf32, #tpu.memory_space<vmem>>, %arg7: memref<1x128xf32, #tpu.memory_space<vmem>>, %arg8: memref<1x128xf32, #tpu.memory_space<vmem>>, %arg9: memref<2000x128xf32, #tpu.memory_space<vmem>>) attributes {dimension_semantics = [#tpu.dimension_semantics<arbitrary>], iteration_bounds = array<i64: 5>, scalar_prefetch = 0 : i64, scratch_operands = 0 : i64, tpu.core_type = #tpu.core_type<tc>, window_params = [{transform_indices = @transform_0, window_bounds = array<i64: 2000, 128>}, {transform_indices = @transform_1, window_bounds = array<i64: 2000, 128>}, {transform_indices = @transform_2, window_bounds = array<i64: 2000, 128>}, {pipeline_mode = #tpu.pipeline_mode<synchronous>, transform_indices = @transform_3, window_bounds = array<i64: 128, 128>}, {pipeline_mode = #tpu.pipeline_mode<synchronous>, transform_indices = @transform_4, window_bounds = array<i64: 128, 128>}, {pipeline_mode = #tpu.pipeline_mode<synchronous>, transform_indices = @transform_5, window_bounds = array<i64: 1, 128>}, {pipeline_mode = #tpu.pipeline_mode<synchronous>, transform_indices = @transform_6, window_bounds = array<i64: 1, 128>}, {pipeline_mode = #tpu.pipeline_mode<synchronous>, transform_indices = @transform_7, window_bounds = array<i64: 1, 128>}, {transform_indices = @transform_8, window_bounds = array<i64: 2000, 128>}]} {
    %get3A = arith.constant 0 : index
    %get3A_0 = arith.constant 0 : index
    %get3A_1 = vector.load %arg1[%get3A, %get3A_0] : memref<2000x128xf32, #tpu.memory_space<vmem>>, vector<2000x128xf32>
    %get3A_2 = arith.constant 0 : index
    %get3A_3 = arith.constant 0 : index
    %get3A_4 = vector.load %arg2[%get3A_2, %get3A_3] : memref<2000x128xf32, #tpu.memory_space<vmem>>, vector<2000x128xf32>
    %get3A_5 = arith.constant 0 : index
    %get3A_6 = arith.constant 0 : index
    %get3A_7 = vector.load %arg3[%get3A_5, %get3A_6] : memref<2000x128xf32, #tpu.memory_space<vmem>>, vector<2000x128xf32>
    %add3A = arith.addf %get3A_4, %get3A_7 : vector<2000x128xf32>
    %get3A_8 = arith.constant 0 : index
    %get3A_9 = arith.constant 0 : index
    %get3A_10 = vector.load %arg4[%get3A_8, %get3A_9] : memref<128x128xf32, #tpu.memory_space<vmem>>, vector<128x128xf32>
    %dot_general3A = arith.constant dense<0.000000e+00> : vector<2000x128xf32>
    %dot_general3A_11 = tpu.matmul %get3A_1, %get3A_10, %dot_general3A {dimension_numbers = #tpu.dot_dimension_numbers<[1], [0], [0], [1], [0, 0, 1, 1], [], []>, transpose_lhs_hint = false} : vector<2000x128xf32>, vector<128x128xf32>, vector<2000x128xf32> -> vector<2000x128xf32>
    %get3A_12 = arith.constant 0 : index
    %get3A_13 = arith.constant 0 : index
    %get3A_14 = vector.load %arg5[%get3A_12, %get3A_13] : memref<128x128xf32, #tpu.memory_space<vmem>>, vector<128x128xf32>
    %dot_general3A_15 = arith.constant dense<0.000000e+00> : vector<2000x128xf32>
    %dot_general3A_16 = tpu.matmul %add3A, %get3A_14, %dot_general3A_15 {dimension_numbers = #tpu.dot_dimension_numbers<[1], [0], [0], [1], [0, 0, 1, 1], [], []>, transpose_lhs_hint = false} : vector<2000x128xf32>, vector<128x128xf32>, vector<2000x128xf32> -> vector<2000x128xf32>
    %add3A_17 = arith.addf %dot_general3A_11, %dot_general3A_16 : vector<2000x128xf32>
    %get3A_18 = arith.constant 0 : index
    %get3A_19 = arith.constant 0 : index
    %get3A_20 = vector.load %arg6[%get3A_18, %get3A_19] : memref<1x128xf32, #tpu.memory_space<vmem>>, vector<1x128xf32>
    %add3A_21 = vector.broadcast %get3A_20 : vector<1x128xf32> to vector<2000x128xf32>
    %add3A_22 = arith.addf %add3A_17, %add3A_21 : vector<2000x128xf32>
    %logistic3A = arith.negf %add3A_22 : vector<2000x128xf32>
    %logistic3A_23 = math.exp %logistic3A : vector<2000x128xf32>
    %logistic3A_24 = arith.constant 1.000000e+00 : f32
    %logistic3A_25 = vector.broadcast %logistic3A_24 : f32 to vector<2000x128xf32>
    %logistic3A_26 = arith.addf %logistic3A_25, %logistic3A_23 : vector<2000x128xf32>
    %logistic3A_27 = arith.divf %logistic3A_25, %logistic3A_26 : vector<2000x128xf32>
    %tanh3A = math.tanh %add3A : vector<2000x128xf32>
    %mul3A = arith.mulf %logistic3A_27, %tanh3A : vector<2000x128xf32>
    %sub3A = arith.constant 1.000000e+00 : f32
    %sub3A_28 = vector.broadcast %sub3A : f32 to vector<2000x128xf32>
    %sub3A_29 = arith.subf %sub3A_28, %logistic3A_27 : vector<2000x128xf32>
    %mul3A_30 = arith.mulf %sub3A_29, %get3A_1 : vector<2000x128xf32>
    %add3A_31 = arith.addf %mul3A, %mul3A_30 : vector<2000x128xf32>
    %reduce_sum3A = arith.constant dense<0.000000e+00> : vector<2000xf32>
    %reduce_sum3A_32 = vector.multi_reduction <add>, %add3A_31, %reduce_sum3A [1] : vector<2000x128xf32> to vector<2000xf32>
    %broadcast_in_dim3A = vector.shape_cast %reduce_sum3A_32 : vector<2000xf32> to vector<2000x1xf32>
    %div3A = arith.constant 1.280000e+02 : f32
    %div3A_33 = vector.broadcast %div3A : f32 to vector<2000x1xf32>
    %div3A_34 = arith.divf %broadcast_in_dim3A, %div3A_33 : vector<2000x1xf32>
    %sub3A_35 = vector.broadcast %div3A_34 : vector<2000x1xf32> to vector<2000x128xf32>
    %sub3A_36 = arith.subf %add3A_31, %sub3A_35 : vector<2000x128xf32>
    %mul3A_37 = arith.mulf %sub3A_36, %sub3A_36 : vector<2000x128xf32>
    %reduce_sum3A_38 = arith.constant dense<0.000000e+00> : vector<2000xf32>
    %reduce_sum3A_39 = vector.multi_reduction <add>, %mul3A_37, %reduce_sum3A_38 [1] : vector<2000x128xf32> to vector<2000xf32>
    %broadcast_in_dim3A_40 = vector.shape_cast %reduce_sum3A_39 : vector<2000xf32> to vector<2000x1xf32>
    %div3A_41 = arith.constant 1.280000e+02 : f32
    %div3A_42 = vector.broadcast %div3A_41 : f32 to vector<2000x1xf32>
    %div3A_43 = arith.divf %broadcast_in_dim3A_40, %div3A_42 : vector<2000x1xf32>
    %add3A_44 = arith.constant 9.99999974E-6 : f32
    %add3A_45 = vector.broadcast %add3A_44 : f32 to vector<2000x1xf32>
    %add3A_46 = arith.addf %div3A_43, %add3A_45 : vector<2000x1xf32>
    %rsqrt3A = math.rsqrt %add3A_46 : vector<2000x1xf32>
    %mul3A_47 = vector.broadcast %rsqrt3A : vector<2000x1xf32> to vector<2000x128xf32>
    %mul3A_48 = arith.mulf %sub3A_36, %mul3A_47 : vector<2000x128xf32>
    %get3A_49 = arith.constant 0 : index
    %get3A_50 = arith.constant 0 : index
    %get3A_51 = vector.load %arg7[%get3A_49, %get3A_50] : memref<1x128xf32, #tpu.memory_space<vmem>>, vector<1x128xf32>
    %mul3A_52 = vector.broadcast %get3A_51 : vector<1x128xf32> to vector<2000x128xf32>
    %mul3A_53 = arith.mulf %mul3A_48, %mul3A_52 : vector<2000x128xf32>
    %get3A_54 = arith.constant 0 : index
    %get3A_55 = arith.constant 0 : index
    %get3A_56 = vector.load %arg8[%get3A_54, %get3A_55] : memref<1x128xf32, #tpu.memory_space<vmem>>, vector<1x128xf32>
    %add3A_57 = vector.broadcast %get3A_56 : vector<1x128xf32> to vector<2000x128xf32>
    %add3A_58 = arith.addf %mul3A_53, %add3A_57 : vector<2000x128xf32>
    %swap3A = arith.constant 0 : index
    %swap3A_59 = arith.constant 0 : index
    %swap3A_60 = vector.load %arg9[%swap3A, %swap3A_59] : memref<2000x128xf32, #tpu.memory_space<vmem>>, vector<2000x128xf32>
    tpu.vector_store %arg9[%swap3A, %swap3A_59], %add3A_58 {strides = array<i32>} : memref<2000x128xf32, #tpu.memory_space<vmem>>, vector<2000x128xf32>,
    return
  }
  func.func @transform_0(%arg0: i32) -> (i32, i32) {
    %c0_i32 = arith.constant 0 : i32
    %c0_i32_0 = arith.constant 0 : i32
    return %arg0, %c0_i32 : i32, i32
  }
  func.func @transform_1(%arg0: i32) -> (i32, i32) {
    %c0_i32 = arith.constant 0 : i32
    %c0_i32_0 = arith.constant 0 : i32
    return %arg0, %c0_i32 : i32, i32
  }
  func.func @transform_2(%arg0: i32) -> (i32, i32) {
    %c0_i32 = arith.constant 0 : i32
    %c0_i32_0 = arith.constant 0 : i32
    return %arg0, %c0_i32 : i32, i32
  }
  func.func @transform_3(%arg0: i32) -> (i32, i32) {
    %c0_i32 = arith.constant 0 : i32
    %c0_i32_0 = arith.constant 0 : i32
    %c0_i32_1 = arith.constant 0 : i32
    return %c0_i32, %c0_i32_0 : i32, i32
  }
  func.func @transform_4(%arg0: i32) -> (i32, i32) {
    %c0_i32 = arith.constant 0 : i32
    %c0_i32_0 = arith.constant 0 : i32
    %c0_i32_1 = arith.constant 0 : i32
    return %c0_i32, %c0_i32_0 : i32, i32
  }
  func.func @transform_5(%arg0: i32) -> (i32, i32) {
    %c0_i32 = arith.constant 0 : i32
    %c0_i32_0 = arith.constant 0 : i32
    %c0_i32_1 = arith.constant 0 : i32
    return %c0_i32, %c0_i32_0 : i32, i32
  }
  func.func @transform_6(%arg0: i32) -> (i32, i32) {
    %c0_i32 = arith.constant 0 : i32
    %c0_i32_0 = arith.constant 0 : i32
    %c0_i32_1 = arith.constant 0 : i32
    return %c0_i32, %c0_i32_0 : i32, i32
  }
  func.func @transform_7(%arg0: i32) -> (i32, i32) {
    %c0_i32 = arith.constant 0 : i32
    %c0_i32_0 = arith.constant 0 : i32
    %c0_i32_1 = arith.constant 0 : i32
    return %c0_i32, %c0_i32_0 : i32, i32
  }
  func.func @transform_8(%arg0: i32) -> (i32, i32) {
    %c0_i32 = arith.constant 0 : i32
    %c0_i32_0 = arith.constant 0 : i32
    return %arg0, %c0_i32 : i32, i32
  }
}

</mosaic_0001>

<sc_bundles>
// kernel: kernel.6.cloned.1.call-start
scs
__scs_entry_jumppad:
0x0: {  	(pc) =	sbr.rel $0x88, $3  }
0x1: {  	(tag) =	ssettag $0x0;
	lr =	simm.s32 $0x1  }
0x2: {  	[smem:$0x3F91] =	sst lr;
	_ =	strace $0xD0000000  }
0x3: {  	_ = 	snop  }
0x4: {  	_ = 	snop  }
0x5: {  	_ = 	snop  }
0x6: {  	_ = 	snop  }
0x7: {  	_ = 	snop  }
__scs_overlays_trampoline_lowered:
0x8: {  	[smem:$0x3FA0] =	sst s0  }
0x9: {  	[smem:$0x3FA1] =	sst s1  }
0xa: {  	[smem:$0x3FA2] =	sst s2  }
0xb: {  	[smem:$0x3FA3] =	sst s3  }
0xc: {  	[smem:$0x3FA4] =	sst s4  }
0xd: {  	[smem:$0x3FA5] =	sst s5  }
0xe: {  	[smem:$0x3FA6] =	sst s6  }
0xf: {  	[smem:$0x3FA7] =	sst s7  }
0x10: {  	[smem:$0x3FA8] =	sst s8  }
0x11: {  	[smem:$0x3FA9] =	sst s9;
	s0 =	simm.s32 @!p0 $0x0  }
0x12: {  	s1 =	sld [smem:$0x3F8F];
	s0 =	simm.s32 @p0 $0x1  }
0x13: {  	[smem:$0x3FAA] =	sst s0;
	s0 =	simm.s32 @!p1 $0x0  }
0x14: {  	s2 =	sld [smem:$0x3F8E];
	s0 =	simm.s32 @p1 $0x1  }
0x15: {  	[smem:$0x3FAB] =	sst s0;
	s0 =	simm.s32 @!p2 $0x0  }
0x16: {  	s3 =	sld [smem:$0x3FDB];
	s0 =	simm.s32 @p2 $0x1  }
0x17: {  	s4 =	simm.s32 $0x1BF5;
	[smem:$0x3FAD] =	sst s0  }
0x18: {  	s0 =	sld [smem:$0x3F90];
	_ =	swait.ge [sflag:s4], $0x0  }
0x19: {  	s7 =	sld [smem:$0x3F91]  }
0x1a: {  	s8 =	sadd.s32 $0xFFFFE003, lr  }
0x1b: {  	s9 =	sadd.s32 $0xFFFFFEF7, lr;
	s5 =	simm.s32 $0xFFFFFFFF;
	p2 =	slt.u32 s8, $0xFFFFF086  }
0x1c: {  	p1 =	slt.u32 s9, $0xF7A;
	s5 =	simm.s32 @!p2 $0x0  }
0x1d: {  	s5 =	simm.s32 @p1 $0x1;
	p0 =	seq.s32 s7, s2  }
0x1e: {  	s7 =	smul.u32 @!p0 $0xF7A, s2;
	p2 =	seq.s32 @!p0 s5, $0x0  }
0x1f: {  	s9 =	smul.u32 $0xF7A, s1;
	s8 =	simm.s32 @!p0 $0x1BF5;
	p2 =	por !p2, p0  }
0x20: {  	[sflag:s8] =	ssyncset.s32 @!p0 $0xFFFFF086;
	s6 =	sadd.s32 @!p0 s3, s7;
	s7 =	simm.s32 @!p0 $0x108  }
0x21: {  	s3 =	sadd.s32 s3, s9;
	s6 =	sadd.s32 @!p0 $0x88, s6;
	s7 =	simm.s32 @p2 $0x1082  }
0x22: {  	[simem:s7], [sflag:s8] =	dma.local @!p0 [hbm:s6], $0xF7A  }
0x23: {  	s9 =	sor.u32 $0xD0000000, s2;
	s6 =	simm.s32 $0x108;
	_ =	swait.ge @!p0 [sflag:s8], $0x0  }
0x24: {  	s3 =	sadd.s32 $0x88, s3;
	s6 =	simm.s32 @!p1 $0x1082;
	[sflag:s4] =	ssyncset.s32 $0xFFFFF086  }
0x25: {  	[simem:s6], [sflag:s4] =	dma.local [hbm:s3], $0xF7A  }
0x26: {  	[smem:$0x3F91] =	sst s1;
	(tag) =	ssettag s2;
	_ =	strace s9  }
0x27: {  	s1 =	sld [smem:$0x3FA1]  }
0x28: {  	s2 =	sld [smem:$0x3FA2]  }
0x29: {  	s4 =	sld [smem:$0x3FA4]  }
0x2a: {  	p0 =	seq.s32 s5, $0x0;
	s5 =	sld [smem:$0x3FA5]  }
0x2b: {  	s6 =	sld [smem:$0x3FA6]  }
0x2c: {  	s7 =	sld [smem:$0x3FA7]  }
0x2d: {  	s3 =	simm.s32 $0x108;
	s8 =	sld [smem:$0x3FA8]  }
0x2e: {  	s3 =	simm.s32 @!p0 $0x1082;
	s9 =	sld [smem:$0x3FA9]  }
0x2f: {  	lr =	sadd.s32 s0, s3;
	s0 =	sld [smem:$0x3FA0]  }
0x30: {  	s3 =	sld [smem:$0x3FA3]  }
0x31: {  	[smem:$0x3FAC] =	sst s10  }
0x32: {  	s10 =	sld [smem:$0x3FAA];
	_ =	sdelay $0x3  }
0x33: {  	p0 =	seq.s32 s10, $0x1;
	s10 =	sld [smem:$0x3FAC];
	_ =	sdelay $0x3  }
0x34: {  	[smem:$0x3FAC] =	sst s10  }
0x35: {  	s10 =	sld [smem:$0x3FAB];
	_ =	sdelay $0x3  }
0x36: {  	p1 =	seq.s32 s10, $0x1;
	s10 =	sld [smem:$0x3FAC];
	_ =	sdelay $0x3  }
0x37: {  	[smem:$0x3FAC] =	sst s10  }
0x38: {  	s10 =	sld [smem:$0x3FAD]  }
0x39: {  	_ = 	snop;
	(pc) =	sbr.ind lr, $3  }
0x3a: {  	_ = 	snop  }
0x3b: {  	_ = 	snop  }
0x3c: {  	p2 =	seq.s32 s10, $0x1;
	s10 =	sld [smem:$0x3FAC]  }
0x3d: {  	_ =	shalt  }
0x3e: {  	_ =	shalt  }
0x3f: {  	_ =	shalt  }
0x40: {  	_ =	shalt  }
0x41: {  	_ =	shalt  }
0x42: {  	_ =	shalt  }
0x43: {  	_ =	shalt  }
0x44: {  	_ =	shalt  }
0x45: {  	_ =	shalt  }
0x46: {  	_ =	shalt  }
0x47: {  	_ =	shalt  }
0x48: {  	_ =	shalt  }
0x49: {  	_ =	shalt  }
0x4a: {  	_ =	shalt  }
0x4b: {  	_ =	shalt  }
0x4c: {  	_ =	shalt  }
0x4d: {  	_ =	shalt  }
0x4e: {  	_ =	shalt  }
0x4f: {  	_ =	shalt  }
0x50: {  	_ =	shalt  }
0x51: {  	_ =	shalt  }
0x52: {  	_ =	shalt  }
0x53: {  	_ =	shalt  }
0x54: {  	_ =	shalt  }
0x55: {  	_ =	shalt  }
0x56: {  	_ =	shalt  }
0x57: {  	_ =	shalt  }
0x58: {  	_ =	shalt  }
0x59: {  	_ =	shalt  }
0x5a: {  	_ =	shalt  }
0x5b: {  	_ =	shalt  }
0x5c: {  	_ =	shalt  }
0x5d: {  	_ =	shalt  }
0x5e: {  	_ =	shalt  }
0x5f: {  	_ =	shalt  }
0x60: {  	_ =	shalt  }
0x61: {  	_ =	shalt  }
0x62: {  	_ =	shalt  }
0x63: {  	_ =	shalt  }
0x64: {  	_ =	shalt  }
0x65: {  	_ =	shalt  }
0x66: {  	_ =	shalt  }
0x67: {  	_ =	shalt  }
0x68: {  	_ =	shalt  }
0x69: {  	_ =	shalt  }
0x6a: {  	_ =	shalt  }
0x6b: {  	_ =	shalt  }
0x6c: {  	_ =	shalt  }
0x6d: {  	_ =	shalt  }
0x6e: {  	_ =	shalt  }
0x6f: {  	_ =	shalt  }
0x70: {  	_ =	shalt  }
0x71: {  	_ =	shalt  }
0x72: {  	_ =	shalt  }
0x73: {  	_ =	shalt  }
0x74: {  	_ =	shalt  }
0x75: {  	_ =	shalt  }
0x76: {  	_ =	shalt  }
0x77: {  	_ =	shalt  }
0x78: {  	_ =	shalt  }
0x79: {  	_ =	shalt  }
0x7a: {  	_ =	shalt  }
0x7b: {  	_ =	shalt  }
0x7c: {  	_ =	shalt  }
0x7d: {  	_ =	shalt  }
0x7e: {  	_ =	shalt  }
0x7f: {  	_ =	shalt  }
0x80: {  	_ =	shalt  }
0x81: {  	_ =	shalt  }
0x82: {  	_ =	shalt  }
0x83: {  	_ =	shalt  }
0x84: {  	_ =	shalt  }
0x85: {  	_ =	shalt  }
0x86: {  	_ =	shalt  }
0x87: {  	_ =	shalt  }
.Lfunc_end0:
.L_simem_size_0:
called_computation_lowered:
.L_overlay_start_0:
0x88: {  	s2 =	sld [smem:$0x3FD9]  }
0x89: {  	s3 =	sld [smem:$0x3FFE];
	_ =	sdelay $0x1  }
0x8a: {  	s1 =	srdreg.scid  }
0x8b: {  	s0 =	sand.u32 $0x1, s1  }
0x8c: {  	s17 =	sshll.u32 s0, $0xA;
	s2 =	sadd.s32 s3, s2  }
0x8d: {  	s2 =	sadd.s32 s2, s17  }
0x8e: {  	[smem:$0x3FB8] =	sst s2  }
0x8f: {  	_ = 	snop  }
0x90: {  	s2 =	sld [smem:$0x3FD0];
	(tm) =	ssettm $0x1  }
0x91: {  	s18 =	sld [smem:$0x3FFB];
	_ =	sdelay $0x3  }
0x92: {  	_ =	strace s18  }
0x93: {  	s3 =	sld [smem:$0x3FFC];
	_ =	sdelay $0x3  }
0x94: {  	_ =	strace s3  }
0x95: {  	s3 =	sld [smem:$0x3FFD];
	_ =	sdelay $0x3  }
0x96: {  	_ =	strace s3  }
0x97: {  	_ =	strace $0x8FFFFFFF  }
0x98: {  	s19 =	sld [smem:$0x3FDB];
	_ =	sdelay $0x1  }
0x99: {  	s4 =	simm.s32 $_scs_section_size  }
0x9a: {  	s5 =	simm.s32 $_size__tile_overlayer_lowered;
	s6 =	simm.s32 $_tile_overlayer_lowered  }
0x9b: {  	s22 =	simm.s32 $0x1BFF;
	s21 =	sshll.u32 s6, $0x1;
	s3 =	sadd.s32 s4, s19  }
0x9c: {  	s7 =	simm.s32 $0x0;
	s20 =	sshll.u32 s5, $0x1;
	s5 =	sadd.s32 s21, s3  }
0x9d: {  	[timem:s7], [sflag:s22] =	dma.local [hbm:s5], s20  }
0x9e: {  	_ =	swait.ge [sflag:s22], s20  }
0x9f: {  	s4 =	ssub.s32 $0x0, s20;
	[sflag:s22] =	ssyncset.done $0x0  }
0xa0: {  	[sflag:s22] =	ssyncadd.s32 s4;
	_ =	sdelay $0x1  }
0xa1: {  	s23 =	simm.s32 $0x1B8B  }
0xa2: {  	_ =	swait.ge [sflag:s23], $0x1  }
0xa3: {  	[sflag:s23] =	ssyncset.done $0x0  }
0xa4: {  	s25 =	simm.s32 $0x1B8E;
	s24 =	sld [smem:$0x3FFE];
	[sflag:s23] =	ssyncadd.s32 $0xFFFFFFFF  }
0xa5: {  	s26 =	simm.s32 $execute0_lowered;
	[smem:$0x3FD2] =	sst s25  }
0xa6: {  	s5 =	sshll.u32 s26, $0x1;
	_ =	strace $0x80000046;
	[dreg:$0x1] =	wrdreg $0xFFFFFFFF  }
0xa7: {  	s28 =	simm.s32 $_size_execute0_lowered;
	s3 =	sadd.s32 s3, s5;
	[dreg:$0x0] =	wrdreg $0x0  }
0xa8: {  	s5 =	sshll.u32 s28, $0x1;
	[dreg:$0x2] =	wrdreg s3  }
0xa9: {  	[dreg:$0x3] =	wrdreg s5  }
0xaa: {  	[dreg:$0x4] =	wrdreg $0xC0  }
0xab: {  	_ =	task [dreg:s7], $0x5FFFF  }
0xac: {  	[dreg:$0x1] =	wrdreg $0xFFFFFFFF  }
0xad: {  	[dreg:$0x0] =	wrdreg $0x60  }
0xae: {  	[dreg:$0x2] =	wrdreg s24  }
0xaf: {  	[dreg:$0x3] =	wrdreg s2  }
0xb0: {  	[dreg:$0x4] =	wrdreg $0x9  }
0xb1: {  	_ =	task.clear_ibuf [dreg:s7], $0x5FFFF;
	_ =	strace $0x90000046  }
0xb2: {  	s29 =	simm.s32 $0x9;
	_ =	strace $0x80000048  }
0xb3: {  	_ =	swait.ge [sflag:s29], $0x1  }
0xb4: {  	[sflag:s29] =	ssyncadd.s32 $0xFFFFFFFF  }
0xb5: {  	_ =	strace $0x90000048  }
0xb6: {  	_ =	sfence  }
0xb7: {  	s30 =	sld [smem:$0x0];
	_ =	sdelay $0x2  }
0xb8: {  	s31 =	sshll.u32 s1, $0xD;
	s1 =	sshrl.u32 s1, $0x2  }
0xb9: {  	s3 =	sand.u32 $0x4000, s31;
	s1 =	sadd.s32 s1, s30  }
0xba: {  	s0 =	sor.u32 s3, s0;
	s1 =	sshll.u32 s1, $0x11  }
0xbb: {  	s0 =	sor.u32 s1, s0  }
0xbc: {  	s0 =	sadd.s32 $0x8F2B, s0  }
0xbd: {  	[sflag:s0] =	ssyncadd.remote.s32 $0x1  }
0xbe: {  	_ =	sfence.sel $0xFFFF  }
0xbf: {  	[dreg:$0x0] =	wrdreg $0xFFFFFFFF;
	(pc) =	sbr.abs _section_cstart, $3  }
0xc0: {  	[dreg:$0x1] =	wrdreg $0xFFFFFFFF  }
0xc1: {  	_ =	task.clear_ibuf [dreg:s7], $0x2FFFF;
	_ =	strace $0x9FFFFFFF  }
0xc2: {  	(tm) =	ssettm $0x7FFFFFFF  }
0xc3: {  	_ =	shalt  }
tec
execute0_lowered:
.L_overlay_start_1:
0x0: {  	(tag) =	ssettag $0x1  }
0x1: {  	s0 =	srdreg.scid;
	s1 =	rddreg [dreg:$0x0]  }
0x2: {  	s15 =	stileid.u32;
	s6 =	rddreg [dreg:$0x1]  }
0x3: {  	s28 =	simm.s32 $0x1;
	s29 =	simm.s32 $0x180;
	s30 =	simm.s32 $0x380  }
0x4: {  	s31 =	simm.s32 $0x2;
	s0 =	sand.u32 $0x1, s0;
	s2 =	sshll.u32 s15, $0x1  }
0x5: {  	s3 =	sadd.s32 $0x2C00, s1;
	s5 =	sadd.s32 $0x16800, s1;
	s19 =	smul.u32 $0x4E00, s15  }
0x6: {  	s7 =	sor.u32 s0, s2;
	s8 =	ssub.s32 $0x2, s0;
	s0 =	smul.u32 $0x2700, s0  }
0x7: {  	p0 =	sgt.u32 s15, $0x1;
	s2 =	simm.s32 $0x0;
	s4 =	smul.u32 $0x2700, s7  }
0x8: {  	[smem:$0x7FF] =	sst s2;
	s10 =	sshrl.u32 s8, $0x1;
	s7 =	sshll.u32 s7, $0x4  }
0x9: {  	_ =	strace $0x80000047;
	s17 =	ssub.s32 s8, s10;
	s7 =	sor.u32 $0x9C00, s7  }
0xa: {  	s0 =	sadd.s32 s0, s19;
	s9 =	sshrl.u32 s4, $0x3;
	s10 =	sadd.s32 s3, s7  }
0xb: {  	s11 =	sadd.s32 s6, s7;
	s12 =	smax.u32 s17, $0x1;
	s22 =	sshrl.u32 s0, $0x3  }
0xc: {  	s23 =	sor.u32 $0x80, s0;
	s8 =	sadd.s32 $0x100, s0;
	s7 =	sadd.s32 $0x200, s0  }
0xd: {  	s25 =	sadd.s32 $0x280, s0;
	s26 =	sadd.s32 $0x300, s0;
	s0 =	sadd.s32 $0x180, s0  }
0xe: {  	s4 =	sadd.s32 s3, s9;
	s9 =	sadd.s32 s6, s9;
	s13 =	sadd.s32 s22, s6  }
0xf: {  	s24 =	sshrl.u32 s23, $0x3;
	s8 =	sshrl.u32 s8, $0x3;
	s1 =	sshrl.u32 s25, $0x3  }
0x10: {  	s0 =	sshrl.u32 s0, $0x3;
	s22 =	simm.s32 $0x80;
	s23 =	simm.s32 $0x200  }
0x11: {  	s25 =	simm.s32 $0x100;
	s18 =	sadd.s32 $0x10, s4;
	[dreg:$0x3] =	wrdreg s4  }
0x12: {  	s4 =	sadd.s32 $0x20, s4;
	s20 =	sadd.s32 $0x4C0, s9;
	s21 =	sadd.s32 $0x4D0, s9  }
0x13: {  	s14 =	sadd.s32 s24, s6;
	s16 =	sadd.s32 s8, s6;
	s8 =	sshrl.u32 s26, $0x3  }
.Ltmp0:
0x14: {  	s17 =	sadd.s32 s1, s3;
	[dreg:$0x4] =	wrdreg s18;
	(pc) =	sbr.rel .LBB2_1-.Ltmp0, $4  }
0x15: {  	s19 =	sadd.s32 s0, s6;
	s24 =	simm.s32 $0x280;
	[dreg:$0x5] =	wrdreg s4  }
0x16: {  	s26 =	simm.s32 $0x300;
	s1 =	simm.s32 $0x3;
	[dreg:$0x6] =	wrdreg s20  }
0x17: {  	s6 =	simm.s32 $0x0;
	[dreg:$0x7] =	wrdreg s21;
	s18 =	sadd.s32 s8, s3  }
0x18: {  	s20 =	sadd.s32 s0, s3;
	s21 =	simm.s32 $0x5;
	s0 =	simm.s32 $0x4  }
.LBB2_4:
0x19: {  	_ =	swait.ge [sflag:s28], $0x80  }
0x1a: {  	[sflag:s28] =	ssyncset.done $0x0  }
0x1b: {  	s4 =	rddreg [dreg:$0x6];
	[sflag:s28] =	ssyncadd.s32 $0xFFFFFF80  }
0x1c: {  	[hbm4b:s4+s2] =	stream.linear.scatter [tilespmem:s23], [sflag:$0x5], $0x80, $0x38;
	[tilespmem:$0x400] =	vst v63  }
0x1d: {  	_ =	swait.ge [sflag:s21], $0x80  }
0x1e: {  	[sflag:s21] =	ssyncset.done $0x0  }
0x1f: {  	[sflag:s21] =	ssyncadd.s32 $0xFFFFFF80  }
0x20: {  	_ =	swait.ge [sflag:s31], $0x80  }
0x21: {  	[sflag:s31] =	ssyncset.done $0x0  }
0x22: {  	s15 =	rddreg [dreg:$0x7];
	[sflag:s31] =	ssyncadd.s32 $0xFFFFFF80  }
0x23: {  	[hbm4b:s15+s2] =	stream.linear.scatter [tilespmem:s24], [sflag:$0x5], $0x80, $0x38;
	[tilespmem:$0x400] =	vst v63  }
0x24: {  	_ =	swait.ge [sflag:s21], $0x80  }
0x25: {  	[sflag:s21] =	ssyncset.done $0x0  }
0x26: {  	s8 =	simm.s32 @!p0 $0x5;
	s4 =	simm.s32 @!p0 $0x0;
	[sflag:s21] =	ssyncadd.s32 $0xFFFFFF80  }
0x27: {  	[tilespmem:s4], [sflag:$0x5] =	stream.linear.gather @!p0 [hbm4b:s10+s4], $0x80, $0x38;
	[tilespmem:$0x400] =	vst v63  }
0x28: {  	_ =	swait.ge @!p0 [sflag:s8], $0x80  }
0x29: {  	[sflag:s8] =	ssyncset.done @!p0 $0x0  }
0x2a: {  	s9 =	simm.s32 @!p0 $0x200;
	s15 =	simm.s32 @!p0 $0x80;
	[sflag:s8] =	ssyncadd.s32 @!p0 $0xFFFFFF80  }
0x2b: {  	[tilespmem:s9], [sflag:$0x5] =	stream.indirect.gather @!p0 [hbm4b:s5+s15], $0x1, s4, s15, $0xb8;
	[tilespmem:$0x400] =	vst v63  }
0x2c: {  	s6 =	sadd.s32 $0x1, s6;
	_ =	swait.ge @!p0 [sflag:s8], $0x80  }
0x2d: {  	p1 =	sne.s32 s6, s12;
	[sflag:s8] =	ssyncset.done @!p0 $0x0  }
.Ltmp1:
0x2e: {  	[sflag:s8] =	ssyncadd.s32 @!p0 $0xFFFFFF80;
	(pc) =	sbr.rel @!p1 .LBB2_5-.Ltmp1, $4  }
0x2f: {  	[hbm4b:s11+s4] =	stream.linear.scatter @!p0 [tilespmem:s9], [sflag:$0x5], $0x80, $0x38;
	[tilespmem:$0x400] =	vst v63  }
0x30: {  	_ =	swait.ge @!p0 [sflag:s8], $0x80  }
0x31: {  	[sflag:s8] =	ssyncset.done @!p0 $0x0  }
0x32: {  	[sflag:s8] =	ssyncadd.s32 @!p0 $0xFFFFFF80  }
.LBB2_1:
0x33: {  	s4 =	rddreg [dreg:$0x3]  }
0x34: {  	[tilespmem:s2], [sflag:$0x5] =	stream.linear.gather [hbm4b:s4+s2], $0x80, $0x38;
	[tilespmem:$0x400] =	vst v63  }
0x35: {  	_ =	swait.ge [sflag:s21], $0x80  }
0x36: {  	[sflag:s21] =	ssyncset.done $0x0  }
0x37: {  	[sflag:s21] =	ssyncadd.s32 $0xFFFFFF80  }
0x38: {  	[tilespmem:s23], [sflag:$0x1] =	stream.indirect.gather [hbm4b:s5+s22], $0x1, s2, s22, $0xb8;
	[tilespmem:$0x400] =	vst v63  }
0x39: {  	s9 =	rddreg [dreg:$0x4]  }
0x3a: {  	[tilespmem:s22], [sflag:$0x5] =	stream.linear.gather [hbm4b:s9+s2], $0x80, $0x38;
	[tilespmem:$0x400] =	vst v63  }
0x3b: {  	_ =	swait.ge [sflag:s21], $0x80  }
0x3c: {  	[sflag:s21] =	ssyncset.done $0x0  }
0x3d: {  	[sflag:s21] =	ssyncadd.s32 $0xFFFFFF80  }
0x3e: {  	[tilespmem:s24], [sflag:$0x2] =	stream.indirect.gather [hbm4b:s5+s22], $0x1, s22, s22, $0xb8;
	[tilespmem:$0x400] =	vst v63  }
0x3f: {  	s15 =	rddreg [dreg:$0x5]  }
0x40: {  	[tilespmem:s25], [sflag:$0x5] =	stream.linear.gather [hbm4b:s15+s2], $0x80, $0x38;
	[tilespmem:$0x400] =	vst v63  }
0x41: {  	_ =	swait.ge [sflag:s21], $0x80  }
0x42: {  	[sflag:s21] =	ssyncset.done $0x0  }
0x43: {  	s8 =	simm.s32 $0x0;
	s15 =	smov.u32 s7;
	[sflag:s21] =	ssyncadd.s32 $0xFFFFFF80  }
0x44: {  	[tilespmem:s26], [sflag:$0x3] =	stream.indirect.gather [hbm4b:s5+s22], $0x1, s25, s22, $0xb8;
	[tilespmem:$0x400] =	vst v63  }
.LBB2_2:
0x45: {  	_ =	swait.ge [sflag:s28], $0x80  }
0x46: {  	[sflag:s28] =	ssyncset.done $0x0  }
0x47: {  	s4 =	sadd.s32 s8, s13;
	[sflag:s28] =	ssyncadd.s32 $0xFFFFFF80  }
0x48: {  	[hbm4b:s4+s2] =	stream.linear.scatter [tilespmem:s23], [sflag:$0x5], $0x80, $0x38;
	[tilespmem:$0x400] =	vst v63  }
0x49: {  	_ =	swait.ge [sflag:s21], $0x80  }
0x4a: {  	[sflag:s21] =	ssyncset.done $0x0  }
0x4b: {  	s9 =	sadd.s32 s8, s20;
	[sflag:s21] =	ssyncadd.s32 $0xFFFFFF80  }
0x4c: {  	[tilespmem:s29], [sflag:$0x5] =	stream.linear.gather [hbm4b:s9+s2], $0x80, $0x38;
	[tilespmem:$0x400] =	vst v63  }
0x4d: {  	_ =	swait.ge [sflag:s21], $0x80  }
0x4e: {  	[sflag:s21] =	ssyncset.done $0x0  }
0x4f: {  	[sflag:s21] =	ssyncadd.s32 $0xFFFFFF80  }
0x50: {  	[tilespmem:s30], [sflag:$0x4] =	stream.indirect.gather [hbm4b:s5+s22], $0x1, s29, s22, $0xb8;
	[tilespmem:$0x400] =	vst v63  }
0x51: {  	_ =	swait.ge [sflag:s31], $0x80  }
0x52: {  	[sflag:s31] =	ssyncset.done $0x0  }
0x53: {  	s9 =	sadd.s32 s8, s14;
	[sflag:s31] =	ssyncadd.s32 $0xFFFFFF80  }
0x54: {  	[hbm4b:s9+s2] =	stream.linear.scatter [tilespmem:s24], [sflag:$0x5], $0x80, $0x38;
	[tilespmem:$0x400] =	vst v63  }
0x55: {  	_ =	swait.ge [sflag:s21], $0x80  }
0x56: {  	s9 =	sshrl.u32 s15, $0x3;
	[sflag:s21] =	ssyncset.done $0x0  }
0x57: {  	s4 =	sadd.s32 s3, s9;
	[sflag:s21] =	ssyncadd.s32 $0xFFFFFF80  }
0x58: {  	[tilespmem:s2], [sflag:$0x5] =	stream.linear.gather [hbm4b:s4+s2], $0x80, $0x38;
	[tilespmem:$0x400] =	vst v63  }
0x59: {  	_ =	swait.ge [sflag:s21], $0x80  }
0x5a: {  	[sflag:s21] =	ssyncset.done $0x0  }
0x5b: {  	[sflag:s21] =	ssyncadd.s32 $0xFFFFFF80  }
0x5c: {  	[tilespmem:s23], [sflag:$0x1] =	stream.indirect.gather [hbm4b:s5+s22], $0x1, s2, s22, $0xb8;
	[tilespmem:$0x400] =	vst v63  }
0x5d: {  	_ =	swait.ge [sflag:s1], $0x80  }
0x5e: {  	[sflag:s1] =	ssyncset.done $0x0  }
0x5f: {  	s9 =	sadd.s32 s8, s16;
	[sflag:s1] =	ssyncadd.s32 $0xFFFFFF80  }
0x60: {  	[hbm4b:s9+s2] =	stream.linear.scatter [tilespmem:s26], [sflag:$0x5], $0x80, $0x38;
	[tilespmem:$0x400] =	vst v63  }
0x61: {  	_ =	swait.ge [sflag:s21], $0x80  }
0x62: {  	[sflag:s21] =	ssyncset.done $0x0  }
0x63: {  	s9 =	sadd.s32 s8, s17;
	[sflag:s21] =	ssyncadd.s32 $0xFFFFFF80  }
0x64: {  	[tilespmem:s22], [sflag:$0x5] =	stream.linear.gather [hbm4b:s9+s2], $0x80, $0x38;
	[tilespmem:$0x400] =	vst v63  }
0x65: {  	_ =	swait.ge [sflag:s21], $0x80  }
0x66: {  	[sflag:s21] =	ssyncset.done $0x0  }
0x67: {  	[sflag:s21] =	ssyncadd.s32 $0xFFFFFF80  }
0x68: {  	[tilespmem:s24], [sflag:$0x2] =	stream.indirect.gather [hbm4b:s5+s22], $0x1, s22, s22, $0xb8;
	[tilespmem:$0x400] =	vst v63  }
0x69: {  	_ =	swait.ge [sflag:s0], $0x80  }
0x6a: {  	p1 =	seq.s32 s8, $0x480;
	[sflag:s0] =	ssyncset.done $0x0  }
.Ltmp2:
0x6b: {  	s9 =	sadd.s32 s8, s19;
	[sflag:s0] =	ssyncadd.s32 $0xFFFFFF80;
	(pc) =	sbr.rel @p1 .LBB2_4-.Ltmp2, $4  }
0x6c: {  	[hbm4b:s9+s2] =	stream.linear.scatter [tilespmem:s30], [sflag:$0x5], $0x80, $0x38;
	[tilespmem:$0x400] =	vst v63  }
0x6d: {  	_ =	swait.ge [sflag:s21], $0x80  }
0x6e: {  	[sflag:s21] =	ssyncset.done $0x0  }
0x6f: {  	[sflag:s21] =	ssyncadd.s32 $0xFFFFFF80  }
0x70: {  	s4 =	sadd.s32 s8, s18  }
0x71: {  	[tilespmem:s25], [sflag:$0x5] =	stream.linear.gather [hbm4b:s4+s2], $0x80, $0x38;
	[tilespmem:$0x400] =	vst v63  }
.Ltmp3:
0x72: {  	_ = 	snop;
	(pc) =	sbr.rel .LBB2_2-.Ltmp3, $4  }
0x73: {  	_ =	swait.ge [sflag:s21], $0x80  }
0x74: {  	[sflag:s21] =	ssyncset.done $0x0  }
0x75: {  	s8 =	sadd.s32 $0x40, s8;
	s15 =	sadd.s32 $0x200, s15;
	[sflag:s21] =	ssyncadd.s32 $0xFFFFFF80  }
0x76: {  	[tilespmem:s26], [sflag:$0x3] =	stream.indirect.gather [hbm4b:s5+s22], $0x1, s25, s22, $0xb8;
	[tilespmem:$0x400] =	vst v63  }
.LBB2_5:
0x77: {  	_ =	sfence.sel $0x180000  }
0x78: {  	[bflag:$0x0] =	sbarrier.arrive $0xFFFF  }
0x79: {  	_ =	strace $0x90000047  }
0x7a: {  	s0 =	stileid.u32;
	[bflag:$0x2] =	sbarrier.arrive $0xFFFF  }
0x7b: {  	p0 =	sne.s32 s0, $0x0;
	s0 =	rddreg [dreg:$0x2]  }
0x7c: {  	s0 =	sadd.s32 @!p0 $0x100000, s0  }
0x7d: {  	[sflag:s0] =	ssyncadd.tile.s32 @!p0 $0x1;
	_ =	shalt  }
.Lfunc_end2:
_tile_overlayer_lowered:
.L_overlay_start_2:
0x7e: {  	(tag) =	ssettag $0x2  }
0x7f: {  	s0 =	rddreg [dreg:$0x0];
	s2 =	stileid.u32  }
0x80: {  	s1 =	rddreg [dreg:$0x1];
	p0 =	sne.s32 s2, $0x0  }
0x81: {  	s3 =	rddreg [dreg:$0x2];
	[bflag:$0x3] =	sbarrier.arrive $0xFFFF;
	s2 =	simm.s32 @!p0 $0x1C05  }
0x82: {  	[timem:s3], [sflag:s2] =	dma.local @!p0 [hbm:s0], s1  }
0x83: {  	s0 =	simm.s32 @!p0 $0x5  }
0x84: {  	_ =	swait.ge @!p0 [sflag:s0], s1  }
0x85: {  	s1 =	ssub.s32 @!p0 $0x0, s1;
	[sflag:s0] =	ssyncset.done @!p0 $0x0  }
0x86: {  	[sflag:s0] =	ssyncadd.s32 @!p0 s1  }
0x87: {  	[bflag:$0x3] =	sbarrier.arrive $0xFFFF  }
0x88: {  	_ =	shalt  }

// kernel: kernel.9.cloned.1.call-start
scs
__scs_entry_jumppad:
0x0: {  	(pc) =	sbr.rel $0x88, $3  }
0x1: {  	(tag) =	ssettag $0x0;
	lr =	simm.s32 $0x1  }
0x2: {  	[smem:$0x3F91] =	sst lr;
	_ =	strace $0xD0000000  }
0x3: {  	_ = 	snop  }
0x4: {  	_ = 	snop  }
0x5: {  	_ = 	snop  }
0x6: {  	_ = 	snop  }
0x7: {  	_ = 	snop  }
__scs_overlays_trampoline_lowered:
0x8: {  	[smem:$0x3FA0] =	sst s0  }
0x9: {  	[smem:$0x3FA1] =	sst s1  }
0xa: {  	[smem:$0x3FA2] =	sst s2  }
0xb: {  	[smem:$0x3FA3] =	sst s3  }
0xc: {  	[smem:$0x3FA4] =	sst s4  }
0xd: {  	[smem:$0x3FA5] =	sst s5  }
0xe: {  	[smem:$0x3FA6] =	sst s6  }
0xf: {  	[smem:$0x3FA7] =	sst s7  }
0x10: {  	[smem:$0x3FA8] =	sst s8  }
0x11: {  	[smem:$0x3FA9] =	sst s9;
	s0 =	simm.s32 @!p0 $0x0  }
0x12: {  	s1 =	sld [smem:$0x3F8F];
	s0 =	simm.s32 @p0 $0x1  }
0x13: {  	[smem:$0x3FAA] =	sst s0;
	s0 =	simm.s32 @!p1 $0x0  }
0x14: {  	s2 =	sld [smem:$0x3F8E];
	s0 =	simm.s32 @p1 $0x1  }
0x15: {  	[smem:$0x3FAB] =	sst s0;
	s0 =	simm.s32 @!p2 $0x0  }
0x16: {  	s3 =	sld [smem:$0x3FDB];
	s0 =	simm.s32 @p2 $0x1  }
0x17: {  	s4 =	simm.s32 $0x1BF5;
	[smem:$0x3FAD] =	sst s0  }
0x18: {  	s0 =	sld [smem:$0x3F90];
	_ =	swait.ge [sflag:s4], $0x0  }
0x19: {  	s7 =	sld [smem:$0x3F91]  }
0x1a: {  	s8 =	sadd.s32 $0xFFFFE003, lr  }
0x1b: {  	s9 =	sadd.s32 $0xFFFFFEF7, lr;
	s5 =	simm.s32 $0xFFFFFFFF;
	p2 =	slt.u32 s8, $0xFFFFF086  }
0x1c: {  	p1 =	slt.u32 s9, $0xF7A;
	s5 =	simm.s32 @!p2 $0x0  }
0x1d: {  	s5 =	simm.s32 @p1 $0x1;
	p0 =	seq.s32 s7, s2  }
0x1e: {  	s7 =	smul.u32 @!p0 $0xF7A, s2;
	p2 =	seq.s32 @!p0 s5, $0x0  }
0x1f: {  	s9 =	smul.u32 $0xF7A, s1;
	s8 =	simm.s32 @!p0 $0x1BF5;
	p2 =	por !p2, p0  }
0x20: {  	[sflag:s8] =	ssyncset.s32 @!p0 $0xFFFFF086;
	s6 =	sadd.s32 @!p0 s3, s7;
	s7 =	simm.s32 @!p0 $0x108  }
0x21: {  	s3 =	sadd.s32 s3, s9;
	s6 =	sadd.s32 @!p0 $0x88, s6;
	s7 =	simm.s32 @p2 $0x1082  }
0x22: {  	[simem:s7], [sflag:s8] =	dma.local @!p0 [hbm:s6], $0xF7A  }
0x23: {  	s9 =	sor.u32 $0xD0000000, s2;
	s6 =	simm.s32 $0x108;
	_ =	swait.ge @!p0 [sflag:s8], $0x0  }
0x24: {  	s3 =	sadd.s32 $0x88, s3;
	s6 =	simm.s32 @!p1 $0x1082;
	[sflag:s4] =	ssyncset.s32 $0xFFFFF086  }
0x25: {  	[simem:s6], [sflag:s4] =	dma.local [hbm:s3], $0xF7A  }
0x26: {  	[smem:$0x3F91] =	sst s1;
	(tag) =	ssettag s2;
	_ =	strace s9  }
0x27: {  	s1 =	sld [smem:$0x3FA1]  }
0x28: {  	s2 =	sld [smem:$0x3FA2]  }
0x29: {  	s4 =	sld [smem:$0x3FA4]  }
0x2a: {  	p0 =	seq.s32 s5, $0x0;
	s5 =	sld [smem:$0x3FA5]  }
0x2b: {  	s6 =	sld [smem:$0x3FA6]  }
0x2c: {  	s7 =	sld [smem:$0x3FA7]  }
0x2d: {  	s3 =	simm.s32 $0x108;
	s8 =	sld [smem:$0x3FA8]  }
0x2e: {  	s3 =	simm.s32 @!p0 $0x1082;
	s9 =	sld [smem:$0x3FA9]  }
0x2f: {  	lr =	sadd.s32 s0, s3;
	s0 =	sld [smem:$0x3FA0]  }
0x30: {  	s3 =	sld [smem:$0x3FA3]  }
0x31: {  	[smem:$0x3FAC] =	sst s10  }
0x32: {  	s10 =	sld [smem:$0x3FAA];
	_ =	sdelay $0x3  }
0x33: {  	p0 =	seq.s32 s10, $0x1;
	s10 =	sld [smem:$0x3FAC];
	_ =	sdelay $0x3  }
0x34: {  	[smem:$0x3FAC] =	sst s10  }
0x35: {  	s10 =	sld [smem:$0x3FAB];
	_ =	sdelay $0x3  }
0x36: {  	p1 =	seq.s32 s10, $0x1;
	s10 =	sld [smem:$0x3FAC];
	_ =	sdelay $0x3  }
0x37: {  	[smem:$0x3FAC] =	sst s10  }
0x38: {  	s10 =	sld [smem:$0x3FAD]  }
0x39: {  	_ = 	snop;
	(pc) =	sbr.ind lr, $3  }
0x3a: {  	_ = 	snop  }
0x3b: {  	_ = 	snop  }
0x3c: {  	p2 =	seq.s32 s10, $0x1;
	s10 =	sld [smem:$0x3FAC]  }
0x3d: {  	_ =	shalt  }
0x3e: {  	_ =	shalt  }
0x3f: {  	_ =	shalt  }
0x40: {  	_ =	shalt  }
0x41: {  	_ =	shalt  }
0x42: {  	_ =	shalt  }
0x43: {  	_ =	shalt  }
0x44: {  	_ =	shalt  }
0x45: {  	_ =	shalt  }
0x46: {  	_ =	shalt  }
0x47: {  	_ =	shalt  }
0x48: {  	_ =	shalt  }
0x49: {  	_ =	shalt  }
0x4a: {  	_ =	shalt  }
0x4b: {  	_ =	shalt  }
0x4c: {  	_ =	shalt  }
0x4d: {  	_ =	shalt  }
0x4e: {  	_ =	shalt  }
0x4f: {  	_ =	shalt  }
0x50: {  	_ =	shalt  }
0x51: {  	_ =	shalt  }
0x52: {  	_ =	shalt  }
0x53: {  	_ =	shalt  }
0x54: {  	_ =	shalt  }
0x55: {  	_ =	shalt  }
0x56: {  	_ =	shalt  }
0x57: {  	_ =	shalt  }
0x58: {  	_ =	shalt  }
0x59: {  	_ =	shalt  }
0x5a: {  	_ =	shalt  }
0x5b: {  	_ =	shalt  }
0x5c: {  	_ =	shalt  }
0x5d: {  	_ =	shalt  }
0x5e: {  	_ =	shalt  }
0x5f: {  	_ =	shalt  }
0x60: {  	_ =	shalt  }
0x61: {  	_ =	shalt  }
0x62: {  	_ =	shalt  }
0x63: {  	_ =	shalt  }
0x64: {  	_ =	shalt  }
0x65: {  	_ =	shalt  }
0x66: {  	_ =	shalt  }
0x67: {  	_ =	shalt  }
0x68: {  	_ =	shalt  }
0x69: {  	_ =	shalt  }
0x6a: {  	_ =	shalt  }
0x6b: {  	_ =	shalt  }
0x6c: {  	_ =	shalt  }
0x6d: {  	_ =	shalt  }
0x6e: {  	_ =	shalt  }
0x6f: {  	_ =	shalt  }
0x70: {  	_ =	shalt  }
0x71: {  	_ =	shalt  }
0x72: {  	_ =	shalt  }
0x73: {  	_ =	shalt  }
0x74: {  	_ =	shalt  }
0x75: {  	_ =	shalt  }
0x76: {  	_ =	shalt  }
0x77: {  	_ =	shalt  }
0x78: {  	_ =	shalt  }
0x79: {  	_ =	shalt  }
0x7a: {  	_ =	shalt  }
0x7b: {  	_ =	shalt  }
0x7c: {  	_ =	shalt  }
0x7d: {  	_ =	shalt  }
0x7e: {  	_ =	shalt  }
0x7f: {  	_ =	shalt  }
0x80: {  	_ =	shalt  }
0x81: {  	_ =	shalt  }
0x82: {  	_ =	shalt  }
0x83: {  	_ =	shalt  }
0x84: {  	_ =	shalt  }
0x85: {  	_ =	shalt  }
0x86: {  	_ =	shalt  }
0x87: {  	_ =	shalt  }
.Lfunc_end0:
.L_simem_size_0:
called_computation.1_lowered:
.L_overlay_start_0:
0x88: {  	s2 =	sld [smem:$0x3FD9]  }
0x89: {  	s3 =	sld [smem:$0x3FFE];
	_ =	sdelay $0x1  }
0x8a: {  	s1 =	srdreg.scid  }
0x8b: {  	s0 =	sand.u32 $0x1, s1  }
0x8c: {  	s17 =	sshll.u32 s0, $0xA;
	s2 =	sadd.s32 s3, s2  }
0x8d: {  	s2 =	sadd.s32 s2, s17  }
0x8e: {  	[smem:$0x3FB8] =	sst s2  }
0x8f: {  	_ = 	snop  }
0x90: {  	s2 =	sld [smem:$0x3FD0];
	(tm) =	ssettm $0x1  }
0x91: {  	s18 =	sld [smem:$0x3FFB];
	_ =	sdelay $0x3  }
0x92: {  	_ =	strace s18  }
0x93: {  	s3 =	sld [smem:$0x3FFC];
	_ =	sdelay $0x3  }
0x94: {  	_ =	strace s3  }
0x95: {  	s3 =	sld [smem:$0x3FFD];
	_ =	sdelay $0x3  }
0x96: {  	_ =	strace s3  }
0x97: {  	_ =	strace $0x8FFFFFFF  }
0x98: {  	s19 =	sld [smem:$0x3FDB];
	_ =	sdelay $0x1  }
0x99: {  	s4 =	simm.s32 $_scs_section_size  }
0x9a: {  	s5 =	simm.s32 $_size__tile_overlayer_lowered;
	s6 =	simm.s32 $_tile_overlayer_lowered  }
0x9b: {  	s22 =	simm.s32 $0x1BFF;
	s21 =	sshll.u32 s6, $0x1;
	s3 =	sadd.s32 s4, s19  }
0x9c: {  	s7 =	simm.s32 $0x0;
	s20 =	sshll.u32 s5, $0x1;
	s5 =	sadd.s32 s21, s3  }
0x9d: {  	[timem:s7], [sflag:s22] =	dma.local [hbm:s5], s20  }
0x9e: {  	_ =	swait.ge [sflag:s22], s20  }
0x9f: {  	s4 =	ssub.s32 $0x0, s20;
	[sflag:s22] =	ssyncset.done $0x0  }
0xa0: {  	[sflag:s22] =	ssyncadd.s32 s4;
	_ =	sdelay $0x1  }
0xa1: {  	s23 =	simm.s32 $0x1B8B  }
0xa2: {  	_ =	swait.ge [sflag:s23], $0x1  }
0xa3: {  	[sflag:s23] =	ssyncset.done $0x0  }
0xa4: {  	s25 =	simm.s32 $0x1B8E;
	s24 =	sld [smem:$0x3FFE];
	[sflag:s23] =	ssyncadd.s32 $0xFFFFFFFF  }
0xa5: {  	s26 =	simm.s32 $execute0_lowered;
	[smem:$0x3FD2] =	sst s25  }
0xa6: {  	s5 =	sshll.u32 s26, $0x1;
	_ =	strace $0x80000049;
	[dreg:$0x1] =	wrdreg $0xFFFFFFFF  }
0xa7: {  	s28 =	simm.s32 $_size_execute0_lowered;
	s3 =	sadd.s32 s3, s5;
	[dreg:$0x0] =	wrdreg $0x0  }
0xa8: {  	s5 =	sshll.u32 s28, $0x1;
	[dreg:$0x2] =	wrdreg s3  }
0xa9: {  	[dreg:$0x3] =	wrdreg s5  }
0xaa: {  	[dreg:$0x4] =	wrdreg $0xC0  }
0xab: {  	_ =	task [dreg:s7], $0x5FFFF  }
0xac: {  	[dreg:$0x1] =	wrdreg $0xFFFFFFFF  }
0xad: {  	[dreg:$0x0] =	wrdreg $0x60  }
0xae: {  	[dreg:$0x2] =	wrdreg s24  }
0xaf: {  	[dreg:$0x3] =	wrdreg s2  }
0xb0: {  	[dreg:$0x4] =	wrdreg $0xA2000  }
0xb1: {  	[dreg:$0x5] =	wrdreg $0x9  }
0xb2: {  	_ =	task.clear_ibuf [dreg:s7], $0x6FFFF;
	_ =	strace $0x90000049  }
0xb3: {  	s29 =	simm.s32 $0x9;
	_ =	strace $0x8000004B  }
0xb4: {  	_ =	swait.ge [sflag:s29], $0x1  }
0xb5: {  	[sflag:s29] =	ssyncadd.s32 $0xFFFFFFFF  }
0xb6: {  	_ =	strace $0x9000004B  }
0xb7: {  	_ =	sfence  }
0xb8: {  	s30 =	sld [smem:$0x0];
	_ =	sdelay $0x2  }
0xb9: {  	s31 =	sshll.u32 s1, $0xD;
	s1 =	sshrl.u32 s1, $0x2  }
0xba: {  	s3 =	sand.u32 $0x4000, s31;
	s1 =	sadd.s32 s1, s30  }
0xbb: {  	s0 =	sor.u32 s3, s0;
	s1 =	sshll.u32 s1, $0x11  }
0xbc: {  	s0 =	sor.u32 s1, s0  }
0xbd: {  	s0 =	sadd.s32 $0x8F2B, s0  }
0xbe: {  	[sflag:s0] =	ssyncadd.remote.s32 $0x1  }
0xbf: {  	_ =	sfence.sel $0xFFFF  }
0xc0: {  	[dreg:$0x0] =	wrdreg $0xFFFFFFFF;
	(pc) =	sbr.abs _section_cstart, $3  }
0xc1: {  	[dreg:$0x1] =	wrdreg $0xFFFFFFFF  }
0xc2: {  	_ =	task.clear_ibuf [dreg:s7], $0x2FFFF;
	_ =	strace $0x9FFFFFFF  }
0xc3: {  	(tm) =	ssettm $0x7FFFFFFF  }
tec
execute0_lowered:
.L_overlay_start_1:
0x0: {  	(tag) =	ssettag $0x1  }
0x1: {  	s3 =	rddreg [dreg:$0x0]  }
0x2: {  	s1 =	rddreg [dreg:$0x1];
	s0 =	srdreg.scid  }
0x3: {  	s21 =	stileid.u32;
	s2 =	simm.s32 $0x0;
	s31 =	simm.s32 $0x0  }
0x4: {  	s4 =	sand.u32 $0x1, s0;
	s23 =	sshll.u32 s21, $0x1;
	s10 =	smul.u32 $0x280, s21  }
0x5: {  	[smem:$0x7FF] =	sst s2;
	s5 =	sor.u32 s4, s23;
	s11 =	smul.u32 $0x2800, s4  }
0x6: {  	s6 =	sadd.s32 $0x16800, s3;
	s24 =	ssub.s32 $0x2, s4;
	s7 =	smul.u32 $0x27100, s5  }
0x7: {  	s8 =	sadd.s32 $0x4F8800, s3;
	s9 =	sshrl.u32 s24, $0x1;
	s5 =	smul.u32 $0x2710, s5  }
0x8: {  	s12 =	sadd.s32 $0xF0, s10;
	s14 =	sadd.s32 $0x140, s10;
	s18 =	sadd.s32 $0x190, s10  }
0x9: {  	s19 =	sadd.s32 $0x1E0, s10;
	s20 =	sadd.s32 $0x230, s10;
	s0 =	ssub.s32 s24, s9  }
0xa: {  	s9 =	sadd.s32 $0xA0, s10;
	s16 =	sadd.s32 s11, s18;
	s24 =	sadd.s32 s11, s19  }
0xb: {  	s7 =	sadd.s32 s6, s7;
	s15 =	sadd.s32 s11, s9;
	s22 =	sshll.u32 s16, $0x4  }
0xc: {  	s16 =	smul.u32 $0x4E20, s21;
	s0 =	smax.u32 s0, $0x1;
	[dreg:$0x4] =	wrdreg s7  }
0xd: {  	s7 =	sor.u32 $0x50, s10;
	s10 =	sadd.s32 s10, s11;
	s26 =	sshll.u32 s15, $0x4  }
0xe: {  	s15 =	sadd.s32 s11, s14;
	s23 =	sadd.s32 s8, s22;
	s10 =	sshll.u32 s10, $0x4  }
0xf: {  	s13 =	sadd.s32 s11, s7;
	s28 =	sadd.s32 s8, s26;
	s17 =	sshll.u32 s15, $0x4  }
0x10: {  	[dreg:$0xa] =	wrdreg s23;
	s23 =	sshrl.u32 s5, $0x3;
	s10 =	sadd.s32 s8, s10  }
0x11: {  	s25 =	sshll.u32 s13, $0x4;
	[dreg:$0x7] =	wrdreg s28;
	s13 =	sadd.s32 s11, s12  }
0x12: {  	s11 =	sadd.s32 s11, s20;
	s28 =	sadd.s32 $0x50, s5;
	[dreg:$0x5] =	wrdreg s10  }
0x13: {  	s10 =	sadd.s32 s8, s25;
	s25 =	smul.u32 $0x27100, s4;
	s26 =	sshll.u32 s11, $0x4  }
0x14: {  	s4 =	smul.u32 $0x2710, s4;
	s22 =	sshll.u32 s28, $0x4;
	[dreg:$0x6] =	wrdreg s10  }
0x15: {  	s10 =	sshll.u32 s13, $0x4;
	s13 =	rddreg [dreg:$0x2];
	s11 =	sadd.s32 s6, s22  }
0x16: {  	s7 =	sshll.u32 s7, $0x7;
	s10 =	sadd.s32 s8, s10;
	[dreg:$0xd] =	wrdreg s11  }
0x17: {  	s4 =	sadd.s32 s4, s16;
	s16 =	sadd.s32 $0xCA00, s3;
	s11 =	sshll.u32 s18, $0x7  }
0x18: {  	s18 =	sshll.u32 s19, $0x7;
	s19 =	sshll.u32 s20, $0x7;
	[dreg:$0x8] =	wrdreg s10  }
0x19: {  	s10 =	sadd.s32 s8, s17;
	s17 =	smul.u32 $0x4E200, s21;
	s20 =	sadd.s32 $0xF0, s4  }
0x1a: {  	s29 =	sadd.s32 s18, s13;
	s30 =	sadd.s32 s19, s13;
	s18 =	simm.s32 $0x2  }
0x1b: {  	s19 =	simm.s32 $0x7A00;
	[dreg:$0x9] =	wrdreg s10;
	s10 =	sshll.u32 s24, $0x4  }
0x1c: {  	s24 =	sshrl.u32 s28, $0x3;
	s10 =	sadd.s32 s8, s10;
	s8 =	sadd.s32 s8, s26  }
0x1d: {  	s6 =	sadd.s32 s17, s6;
	s17 =	sadd.s32 $0x2C00, s3;
	s26 =	smul.u32 $0x50000, s21  }
0x1e: {  	s28 =	sadd.s32 s16, s24;
	s21 =	sshrl.u32 s20, $0x3;
	[dreg:$0xb] =	wrdreg s10  }
0x1f: {  	s20 =	simm.s32 $0x3;
	[dreg:$0xc] =	wrdreg s8;
	s15 =	sadd.s32 s25, s6  }
0x20: {  	s25 =	sadd.s32 s16, s23;
	s3 =	sadd.s32 s17, s23;
	s5 =	sadd.s32 s17, s24  }
0x21: {  	s8 =	sshll.u32 s9, $0x7;
	_ =	strace $0x8000004A;
	[dreg:$0xe] =	wrdreg s25  }
0x22: {  	s23 =	sadd.s32 s7, s13;
	s9 =	sshll.u32 s12, $0x7;
	[dreg:$0xf] =	wrdreg s3  }
0x23: {  	s10 =	sshll.u32 s14, $0x7;
	s14 =	sadd.s32 s11, s13;
	[dreg:$0x10] =	wrdreg s28  }
0x24: {  	s7 =	simm.s32 $0x180;
	s11 =	simm.s32 $0x1;
	[dreg:$0x11] =	wrdreg s5  }
0x25: {  	s6 =	sshrl.u32 s26, $0x2;
	s24 =	sadd.s32 s8, s13;
	[dreg:$0x14] =	wrdreg s14  }
0x26: {  	s3 =	sadd.s32 s9, s13;
	s12 =	sadd.s32 s10, s13;
	[dreg:$0x15] =	wrdreg s0  }
0x27: {  	s25 =	sadd.s32 s21, s17;
	s26 =	sadd.s32 s21, s16;
	s28 =	sadd.s32 $0xA0, s4  }
.Ltmp0:
0x28: {  	s4 =	simm.s32 $0x100;
	[dreg:$0x12] =	wrdreg s3;
	(pc) =	sbr.rel .LBB2_1-.Ltmp0, $4  }
0x29: {  	s5 =	simm.s32 $0x200;
	s8 =	simm.s32 $0x2A00;
	[dreg:$0x13] =	wrdreg s12  }
0x2a: {  	s9 =	simm.s32 $0x5200;
	s10 =	simm.s32 $0x5;
	[dreg:$0x16] =	wrdreg s25  }
0x2b: {  	s14 =	simm.s32 $0x50;
	s21 =	simm.s32 $0x4;
	[dreg:$0x17] =	wrdreg s26  }
0x2c: {  	v0 =	vimm.f32 $0.0e+00;
	s22 =	sadd.s32 s6, s13;
	[dreg:$0x18] =	wrdreg s28;
	s6 =	simm.s32 $0x80  }
.LBB2_6:
0x2d: {  	_ =	swait.ge [sflag:s20], $0x2800  }
0x2e: {  	[sflag:s20] =	ssyncset.done $0x0  }
0x2f: {  	[sflag:s20] =	ssyncadd.s32 $0xFFFFD800  }
0x30: {  	[spmem:s13] =	stream.indirect.scatter.add.f32 [tilespmem:s5], [sflag:$0x5], $0x80, s2, s14, $0xb8;
	[tilespmem:$0x1E200] =	vst v63  }
0x31: {  	_ =	swait.ge [sflag:s10], $0x2800  }
0x32: {  	[sflag:s10] =	ssyncset.done $0x0  }
0x33: {  	[sflag:s10] =	ssyncadd.s32 $0xFFFFD800  }
0x34: {  	[spmem:s13] =	stream.indirect.scatter.add.f32 [tilespmem:s9], [sflag:$0x5], $0x80, s2, s14, $0xb8;
	[tilespmem:$0x1E200] =	vst v63  }
0x35: {  	_ =	swait.ge [sflag:s10], $0x2800  }
0x36: {  	[sflag:s10] =	ssyncset.done $0x0  }
0x37: {  	s0 =	stileid.u32;
	[sflag:s10] =	ssyncadd.s32 $0xFFFFD800  }
0x38: {  	s0 =	sshll.u32 s0, $0x6;
	[bflag:$0x0] =	sbarrier.arrive $0xFFFF  }
0x39: {  	s3 =	sshrl.u32 s25, $0x3;
	s0 =	sor.u32 $0x1C05, s0;
	s12 =	rddreg [dreg:$0x5]  }
0x3a: {  	[hbm:s12], [sflag:s0] =	dma.local [spmem:s3], $0x500  }
0x3b: {  	_ =	swait.ge [sflag:s10], $0x500  }
0x3c: {  	s22 =	smov.u32 s25;
	[sflag:s10] =	ssyncset.done $0x0  }
0x3d: {  	s24 =	sshrl.u32 s26, $0x3;
	s25 =	rddreg [dreg:$0x6];
	[sflag:s10] =	ssyncadd.s32 $0xFFFFFB00  }
0x3e: {  	[hbm:s25], [sflag:s0] =	dma.local [spmem:s24], $0x500  }
0x3f: {  	_ =	swait.ge [sflag:s10], $0x500  }
0x40: {  	s23 =	smov.u32 s26;
	s26 =	sshrl.u32 s28, $0x3;
	[sflag:s10] =	ssyncset.done $0x0  }
0x41: {  	s24 =	smov.u32 s28;
	s28 =	rddreg [dreg:$0x7];
	[sflag:s10] =	ssyncadd.s32 $0xFFFFFB00  }
0x42: {  	[hbm:s28], [sflag:s0] =	dma.local [spmem:s26], $0x500  }
0x43: {  	_ =	swait.ge [sflag:s10], $0x500  }
0x44: {  	[sflag:s10] =	ssyncset.done $0x0;
	s12 =	rddreg [dreg:$0x12]  }
0x45: {  	s25 =	rddreg [dreg:$0x8];
	[sflag:s10] =	ssyncadd.s32 $0xFFFFFB00;
	s3 =	sshrl.u32 s12, $0x3  }
0x46: {  	[hbm:s25], [sflag:s0] =	dma.local [spmem:s3], $0x500  }
0x47: {  	_ =	swait.ge [sflag:s10], $0x500  }
0x48: {  	[sflag:s10] =	ssyncset.done $0x0;
	s26 =	rddreg [dreg:$0x13]  }
0x49: {  	s28 =	rddreg [dreg:$0x9];
	[sflag:s10] =	ssyncadd.s32 $0xFFFFFB00;
	s3 =	sshrl.u32 s26, $0x3  }
0x4a: {  	[hbm:s28], [sflag:s0] =	dma.local [spmem:s3], $0x500  }
0x4b: {  	_ =	swait.ge [sflag:s10], $0x500  }
0x4c: {  	[sflag:s10] =	ssyncset.done $0x0;
	s12 =	rddreg [dreg:$0x14]  }
0x4d: {  	s25 =	rddreg [dreg:$0xa];
	[sflag:s10] =	ssyncadd.s32 $0xFFFFFB00;
	s3 =	sshrl.u32 s12, $0x3  }
0x4e: {  	[hbm:s25], [sflag:s0] =	dma.local [spmem:s3], $0x500  }
0x4f: {  	_ =	swait.ge [sflag:s10], $0x500  }
0x50: {  	[sflag:s10] =	ssyncset.done $0x0  }
0x51: {  	s26 =	sshrl.u32 s29, $0x3;
	s28 =	rddreg [dreg:$0xb];
	[sflag:s10] =	ssyncadd.s32 $0xFFFFFB00  }
0x52: {  	[hbm:s28], [sflag:s0] =	dma.local [spmem:s26], $0x500  }
0x53: {  	_ =	swait.ge [sflag:s10], $0x500  }
0x54: {  	[sflag:s10] =	ssyncset.done $0x0  }
0x55: {  	s25 =	sshrl.u32 s30, $0x3;
	s26 =	rddreg [dreg:$0xc];
	[sflag:s10] =	ssyncadd.s32 $0xFFFFFB00  }
0x56: {  	[hbm:s26], [sflag:s0] =	dma.local [spmem:s25], $0x500  }
0x57: {  	_ =	swait.ge [sflag:s10], $0x500  }
0x58: {  	s31 =	sadd.s32 $0x1, s31;
	s28 =	rddreg [dreg:$0x15]  }
0x59: {  	p0 =	sne.s32 s31, s28  }
.Ltmp1:
0x5a: {  	_ = 	snop;
	(pc) =	sbr.rel @!p0 .LBB2_7-.Ltmp1, $3  }
0x5b: {  	_ =	sdelay $0x1  }
0x5c: {  	[sflag:s10] =	ssyncset.done $0x0  }
0x5d: {  	[sflag:s10] =	ssyncadd.s32 $0xFFFFFB00  }
.LBB2_1:
0x5e: {  	s0 =	rddreg [dreg:$0xe]  }
0x5f: {  	[tilespmem:s2], [sflag:$0x1] =	stream.linear.gather [hbm4b:s0+s2], $0x50, $0x38;
	[tilespmem:$0x1E200] =	vst v63  }
0x60: {  	s3 =	rddreg [dreg:$0xf]  }
0x61: {  	[tilespmem:s4], [sflag:$0x1] =	stream.linear.gather [hbm4b:s3+s2], $0x50, $0x38;
	[tilespmem:$0x1E200] =	vst v63  }
0x62: {  	s12 =	rddreg [dreg:$0x4]  }
0x63: {  	[tilespmem:s5], [sflag:$0x1] =	stream.linear.gather [hbm4b:s12+s2], $0x2800, $0x38;
	[tilespmem:$0x1E200] =	vst v63  }
0x64: {  	s25 =	rddreg [dreg:$0x10]  }
0x65: {  	[tilespmem:s6], [sflag:$0x2] =	stream.linear.gather [hbm4b:s25+s2], $0x50, $0x38;
	[tilespmem:$0x1E200] =	vst v63  }
0x66: {  	s26 =	rddreg [dreg:$0x11]  }
0x67: {  	[tilespmem:s7], [sflag:$0x2] =	stream.linear.gather [hbm4b:s26+s2], $0x50, $0x38;
	[tilespmem:$0x1E200] =	vst v63  }
0x68: {  	s28 =	rddreg [dreg:$0xd];
	s0 =	simm.s32 $0x0;
	s3 =	simm.s32 $0x200  }
0x69: {  	[tilespmem:s8], [sflag:$0x2] =	stream.linear.gather [hbm4b:s28+s2], $0x2800, $0x38;
	[tilespmem:$0x1E200] =	vst v63  }
.LBB2_2:
0x6a: {  	p0 =	sne.s32 s3, $0x9E00;
	[tilespmem:s0+$0x5270] =	vst v0  }
0x6b: {  	[tilespmem:s0+$0x5200] =	vst v0  }
0x6c: {  	[tilespmem:s0+$0x5210] =	vst v0  }
.Ltmp2:
0x6d: {  	[tilespmem:s0+$0x5220] =	vst v0;
	(pc) =	sbr.rel @p0 .LBB2_2-.Ltmp2, $4  }
0x6e: {  	[tilespmem:s0+$0x5230] =	vst v0  }
0x6f: {  	[tilespmem:s0+$0x5240] =	vst v0  }
0x70: {  	[tilespmem:s0+$0x5250] =	vst v0  }
0x71: {  	[tilespmem:s0+$0x5260] =	vst v0;
	s0 =	sshra.s32 s3, $0x2;
	s3 =	sadd.s32 $0x200, s3  }
0x72: {  	[tilespmem:s0+$0x5270] =	vst v0  }
0x73: {  	[tilespmem:s0+$0x5200] =	vst v0  }
0x74: {  	[tilespmem:s0+$0x5210] =	vst v0  }
0x75: {  	[tilespmem:s0+$0x5220] =	vst v0  }
0x76: {  	[tilespmem:s0+$0x5230] =	vst v0  }
0x77: {  	[tilespmem:s0+$0x5240] =	vst v0  }
0x78: {  	[tilespmem:s0+$0x5250] =	vst v0  }
0x79: {  	[tilespmem:s0+$0x5260] =	vst v0  }
0x7a: {  	[spmem:s22] =	stream.linear.scatter [tilespmem:s9], [sflag:$0x5], $0x2800, $0x38;
	[tilespmem:$0x1E200] =	vst v63  }
0x7b: {  	_ =	swait.ge [sflag:s10], $0x2800  }
0x7c: {  	[sflag:s10] =	ssyncset.done $0x0  }
0x7d: {  	[sflag:s10] =	ssyncadd.s32 $0xFFFFD800  }
0x7e: {  	[spmem:s23] =	stream.linear.scatter [tilespmem:s9], [sflag:$0x5], $0x2800, $0x38;
	[tilespmem:$0x1E200] =	vst v63  }
0x7f: {  	_ =	swait.ge [sflag:s10], $0x2800  }
0x80: {  	[sflag:s10] =	ssyncset.done $0x0  }
0x81: {  	[sflag:s10] =	ssyncadd.s32 $0xFFFFD800  }
0x82: {  	[spmem:s24] =	stream.linear.scatter [tilespmem:s9], [sflag:$0x5], $0x2800, $0x38;
	[tilespmem:$0x1E200] =	vst v63  }
0x83: {  	_ =	swait.ge [sflag:s10], $0x2800  }
0x84: {  	[sflag:s10] =	ssyncset.done $0x0  }
0x85: {  	s25 =	smov.u32 s22;
	s22 =	rddreg [dreg:$0x12];
	[sflag:s10] =	ssyncadd.s32 $0xFFFFD800  }
0x86: {  	[spmem:s22] =	stream.linear.scatter [tilespmem:s9], [sflag:$0x5], $0x2800, $0x38;
	[tilespmem:$0x1E200] =	vst v63  }
0x87: {  	_ =	swait.ge [sflag:s10], $0x2800  }
0x88: {  	[sflag:s10] =	ssyncset.done $0x0  }
0x89: {  	s26 =	smov.u32 s23;
	s23 =	rddreg [dreg:$0x13];
	[sflag:s10] =	ssyncadd.s32 $0xFFFFD800  }
0x8a: {  	[spmem:s23] =	stream.linear.scatter [tilespmem:s9], [sflag:$0x5], $0x2800, $0x38;
	[tilespmem:$0x1E200] =	vst v63  }
0x8b: {  	_ =	swait.ge [sflag:s10], $0x2800  }
0x8c: {  	[sflag:s10] =	ssyncset.done $0x0  }
0x8d: {  	s28 =	smov.u32 s24;
	s24 =	rddreg [dreg:$0x14];
	[sflag:s10] =	ssyncadd.s32 $0xFFFFD800  }
0x8e: {  	[spmem:s24] =	stream.linear.scatter [tilespmem:s9], [sflag:$0x5], $0x2800, $0x38;
	[tilespmem:$0x1E200] =	vst v63  }
0x8f: {  	_ =	swait.ge [sflag:s10], $0x2800  }
0x90: {  	[sflag:s10] =	ssyncset.done $0x0  }
0x91: {  	[sflag:s10] =	ssyncadd.s32 $0xFFFFD800  }
0x92: {  	[spmem:s29] =	stream.linear.scatter [tilespmem:s9], [sflag:$0x5], $0x2800, $0x38;
	[tilespmem:$0x1E200] =	vst v63  }
0x93: {  	_ =	swait.ge [sflag:s10], $0x2800  }
0x94: {  	[sflag:s10] =	ssyncset.done $0x0  }
0x95: {  	[sflag:s10] =	ssyncadd.s32 $0xFFFFD800  }
0x96: {  	[spmem:s30] =	stream.linear.scatter [tilespmem:s9], [sflag:$0x5], $0x2800, $0x38;
	[tilespmem:$0x1E200] =	vst v63  }
0x97: {  	_ =	swait.ge [sflag:s10], $0x2800  }
0x98: {  	[sflag:s10] =	ssyncset.done $0x0  }
0x99: {  	[sflag:s10] =	ssyncadd.s32 $0xFFFFD800  }
0x9a: {  	[bflag:$0x0] =	sbarrier.arrive $0xFFFF  }
0x9b: {  	_ =	swait.ge [sflag:s11], $0x50  }
0x9c: {  	[sflag:s11] =	ssyncset.done $0x0  }
0x9d: {  	[sflag:s11] =	ssyncadd.s32 $0xFFFFFFB0  }
0x9e: {  	_ =	swait.ge [sflag:s11], $0x50  }
0x9f: {  	[sflag:s11] =	ssyncset.done $0x0  }
0xa0: {  	[sflag:s11] =	ssyncadd.s32 $0xFFFFFFB0  }
0xa1: {  	_ =	swait.ge [sflag:s11], $0x2800  }
0xa2: {  	s3 =	rddreg [dreg:$0x18]  }
0xa3: {  	[sflag:s11] =	ssyncset.done $0x0;
	s0 =	rddreg [dreg:$0x17]  }
0xa4: {  	s12 =	simm.s32 $0x0;
	s22 =	rddreg [dreg:$0x16];
	[sflag:s11] =	ssyncadd.s32 $0xFFFFD800  }
0xa5: {  	[tilespmem:s9], [sflag:$0x3] =	stream.indirect.gather [hbm4b:s1+s14], $0x80, s4, s14, $0xb8;
	[tilespmem:$0x1E200] =	vst v63  }
.LBB2_4:
0xa6: {  	_ =	swait.ge [sflag:s18], $0x50  }
0xa7: {  	[sflag:s18] =	ssyncset.done $0x0  }
0xa8: {  	[sflag:s18] =	ssyncadd.s32 $0xFFFFFFB0  }
0xa9: {  	_ =	swait.ge [sflag:s18], $0x50  }
0xaa: {  	[sflag:s18] =	ssyncset.done $0x0  }
0xab: {  	[sflag:s18] =	ssyncadd.s32 $0xFFFFFFB0  }
0xac: {  	_ =	swait.ge [sflag:s18], $0x2800  }
0xad: {  	[sflag:s18] =	ssyncset.done $0x0  }
0xae: {  	[sflag:s18] =	ssyncadd.s32 $0xFFFFD800  }
0xaf: {  	[tilespmem:s19], [sflag:$0x4] =	stream.indirect.gather [hbm4b:s1+s14], $0x80, s7, s14, $0xb8;
	[tilespmem:$0x1E200] =	vst v63  }
0xb0: {  	_ =	swait.ge [sflag:s20], $0x2800  }
0xb1: {  	[sflag:s20] =	ssyncset.done $0x0  }
0xb2: {  	[sflag:s20] =	ssyncadd.s32 $0xFFFFD800  }
0xb3: {  	[spmem:s13] =	stream.indirect.scatter.add.f32 [tilespmem:s5], [sflag:$0x5], $0x80, s2, s14, $0xb8;
	[tilespmem:$0x1E200] =	vst v63  }
0xb4: {  	_ =	swait.ge [sflag:s10], $0x2800  }
0xb5: {  	[sflag:s10] =	ssyncset.done $0x0  }
0xb6: {  	[sflag:s10] =	ssyncadd.s32 $0xFFFFD800  }
0xb7: {  	[spmem:s13] =	stream.indirect.scatter.add.f32 [tilespmem:s9], [sflag:$0x5], $0x80, s2, s14, $0xb8;
	[tilespmem:$0x1E200] =	vst v63  }
0xb8: {  	_ =	swait.ge [sflag:s10], $0x2800  }
0xb9: {  	s23 =	sshrl.u32 s3, $0x3;
	[sflag:s10] =	ssyncset.done $0x0  }
0xba: {  	s24 =	sadd.s32 s16, s23;
	[sflag:s10] =	ssyncadd.s32 $0xFFFFD800  }
0xbb: {  	[tilespmem:s2], [sflag:$0x1] =	stream.linear.gather [hbm4b:s24+s2], $0x50, $0x38;
	[tilespmem:$0x1E200] =	vst v63  }
0xbc: {  	s23 =	sadd.s32 s17, s23  }
0xbd: {  	[tilespmem:s4], [sflag:$0x1] =	stream.linear.gather [hbm4b:s23+s2], $0x50, $0x38;
	[tilespmem:$0x1E200] =	vst v63  }
0xbe: {  	s23 =	sadd.s32 s12, s15  }
0xbf: {  	s24 =	sadd.s32 $0xA00, s23  }
0xc0: {  	[tilespmem:s5], [sflag:$0x1] =	stream.linear.gather [hbm4b:s24+s2], $0x2800, $0x38;
	[tilespmem:$0x1E200] =	vst v63  }
0xc1: {  	_ =	swait.ge [sflag:s11], $0x50  }
0xc2: {  	[sflag:s11] =	ssyncset.done $0x0  }
0xc3: {  	[sflag:s11] =	ssyncadd.s32 $0xFFFFFFB0  }
0xc4: {  	_ =	swait.ge [sflag:s11], $0x50  }
0xc5: {  	[sflag:s11] =	ssyncset.done $0x0  }
0xc6: {  	[sflag:s11] =	ssyncadd.s32 $0xFFFFFFB0  }
0xc7: {  	_ =	swait.ge [sflag:s11], $0x2800  }
0xc8: {  	[sflag:s11] =	ssyncset.done $0x0  }
0xc9: {  	[sflag:s11] =	ssyncadd.s32 $0xFFFFD800  }
0xca: {  	[tilespmem:s9], [sflag:$0x3] =	stream.indirect.gather [hbm4b:s1+s14], $0x80, s4, s14, $0xb8;
	[tilespmem:$0x1E200] =	vst v63  }
0xcb: {  	_ =	swait.ge [sflag:s21], $0x2800  }
0xcc: {  	[sflag:s21] =	ssyncset.done $0x0  }
0xcd: {  	[sflag:s21] =	ssyncadd.s32 $0xFFFFD800  }
0xce: {  	[spmem:s13] =	stream.indirect.scatter.add.f32 [tilespmem:s8], [sflag:$0x5], $0x80, s6, s14, $0xb8;
	[tilespmem:$0x1E200] =	vst v63  }
0xcf: {  	_ =	swait.ge [sflag:s10], $0x2800  }
0xd0: {  	p0 =	seq.s32 s12, $0x26200;
	[sflag:s10] =	ssyncset.done $0x0  }
.Ltmp3:
0xd1: {  	[sflag:s10] =	ssyncadd.s32 $0xFFFFD800;
	(pc) =	sbr.rel @p0 .LBB2_6-.Ltmp3, $4  }
0xd2: {  	[spmem:s13] =	stream.indirect.scatter.add.f32 [tilespmem:s19], [sflag:$0x5], $0x80, s6, s14, $0xb8;
	[tilespmem:$0x1E200] =	vst v63  }
0xd3: {  	_ =	swait.ge [sflag:s10], $0x2800  }
0xd4: {  	[sflag:s10] =	ssyncset.done $0x0  }
0xd5: {  	[sflag:s10] =	ssyncadd.s32 $0xFFFFD800  }
0xd6: {  	[tilespmem:s6], [sflag:$0x2] =	stream.linear.gather [hbm4b:s0+s2], $0x50, $0x38;
	[tilespmem:$0x1E200] =	vst v63  }
.Ltmp4:
0xd7: {  	_ = 	snop;
	(pc) =	sbr.rel .LBB2_4-.Ltmp4, $4  }
0xd8: {  	s23 =	sadd.s32 $0xF00, s23;
	s12 =	sadd.s32 $0xA00, s12  }
0xd9: {  	[tilespmem:s7], [sflag:$0x2] =	stream.linear.gather [hbm4b:s22+s2], $0x50, $0x38;
	[tilespmem:$0x1E200] =	vst v63  }
0xda: {  	s0 =	sadd.s32 $0x14, s0;
	s3 =	sadd.s32 $0xA0, s3;
	s22 =	sadd.s32 $0x14, s22  }
0xdb: {  	[tilespmem:s8], [sflag:$0x2] =	stream.linear.gather [hbm4b:s23+s2], $0x2800, $0x38;
	[tilespmem:$0x1E200] =	vst v63  }
.LBB2_7:
0xdc: {  	_ =	sfence.sel $0x180000  }
0xdd: {  	[bflag:$0x0] =	sbarrier.arrive $0xFFFF  }
0xde: {  	_ =	strace $0x9000004A  }
0xdf: {  	s0 =	stileid.u32;
	[bflag:$0x2] =	sbarrier.arrive $0xFFFF  }
0xe0: {  	p0 =	sne.s32 s0, $0x0;
	s0 =	rddreg [dreg:$0x3]  }
0xe1: {  	s0 =	sadd.s32 @!p0 $0x100000, s0  }
0xe2: {  	[sflag:s0] =	ssyncadd.tile.s32 @!p0 $0x1;
	_ =	shalt  }
.Lfunc_end2:
_tile_overlayer_lowered:
.L_overlay_start_2:
0xe3: {  	(tag) =	ssettag $0x2  }
0xe4: {  	s0 =	rddreg [dreg:$0x0];
	s2 =	stileid.u32  }
0xe5: {  	s1 =	rddreg [dreg:$0x1];
	p0 =	sne.s32 s2, $0x0  }
0xe6: {  	s3 =	rddreg [dreg:$0x2];
	[bflag:$0x3] =	sbarrier.arrive $0xFFFF;
	s2 =	simm.s32 @!p0 $0x1C05  }
0xe7: {  	[timem:s3], [sflag:s2] =	dma.local @!p0 [hbm:s0], s1  }
0xe8: {  	s0 =	simm.s32 @!p0 $0x5  }
0xe9: {  	_ =	swait.ge @!p0 [sflag:s0], s1  }
0xea: {  	s1 =	ssub.s32 @!p0 $0x0, s1;
	[sflag:s0] =	ssyncset.done @!p0 $0x0  }
0xeb: {  	[sflag:s0] =	ssyncadd.s32 @!p0 s1  }
0xec: {  	[bflag:$0x3] =	sbarrier.arrive $0xFFFF  }
0xed: {  	_ =	shalt  }

</sc_bundles>
